<compile_context>
chip_gen: v7x
topology: tpu7x:2x2x1
jax: 0.10.2.dev20260603
libtpu: 0.0.44.dev20260713+nightly
codegen_flags: <defaults>
</compile_context>

<pallas_src>
import functools

import numpy as np
import jax
import jax.numpy as jnp
from jax import lax
from jax.experimental import pallas as pl
from jax.experimental.pallas import tpu as pltpu
from jax.experimental.pallas import tpu_sc as plsc

FH = FW = 64
STRIDE = 16
ANCHOR_SIZE = 16
N = FH * FW * 9
G = 100
GPAD = 128
NC, NS = 2, 16
NW = NC * NS
KG = 3

B_SC = 96
JPW = B_SC // NW
PER_W = JPW * 144
N_SC = B_SC * 144
N_TC = N - N_SC
TC_ROWS = 32
TC_STEP = TC_ROWS * 128
N_TC_PAD = -(-N_TC // TC_STEP) * TC_STEP
TC_BLOCKS = N_TC_PAD // TC_STEP

NEGATIVE_OVERLAP = 0.4
POSITIVE_OVERLAP = 0.5


def _np_base_anchors(base_size):
    ratios = np.array([0.5, 1.0, 2.0])
    scales = np.array([2 ** 0.0, 2 ** (1.0 / 3.0), 2 ** (2.0 / 3.0)])
    anchors = np.zeros((9, 4))
    anchors[:, 2:] = base_size * np.tile(scales, (2, 3)).T
    areas = anchors[:, 2] * anchors[:, 3]
    rep = np.repeat(ratios, 3)
    anchors[:, 2] = np.sqrt(areas / rep)
    anchors[:, 3] = anchors[:, 2] * rep
    anchors[:, 0::2] -= np.tile(anchors[:, 2] * 0.5, (2, 1)).T
    anchors[:, 1::2] -= np.tile(anchors[:, 3] * 0.5, (2, 1)).T
    return anchors.astype(np.float32)


def _np_all_anchors():
    base = _np_base_anchors(ANCHOR_SIZE)
    sx = (np.arange(FW, dtype=np.float32) + 0.5) * STRIDE
    sy = (np.arange(FH, dtype=np.float32) + 0.5) * STRIDE
    mx, my = np.meshgrid(sx, sy)
    shifts = np.stack([mx.ravel(), my.ravel(), mx.ravel(), my.ravel()],
                      axis=1).astype(np.float32)
    return (base[None, :, :] + shifts[:, None, :]).reshape(N, 4)


_BASE = _np_base_anchors(ANCHOR_SIZE)
_BX1, _BY1, _BX2, _BY2 = (_BASE[:, i] for i in range(4))
_LAWK = np.log(_BX2 - _BX1 + np.float32(1.0))
_LAHK = np.log(_BY2 - _BY1 + np.float32(1.0))
_KTAB = np.zeros((6, 16), np.float32)
for _t, _arr in enumerate([_BX1, _BX2, _BY1, _BY2, _LAWK, _LAHK]):
    _KTAB[_t, :9] = _arr
_KTAB = _KTAB.reshape(-1)
GT_LEN = 10 * GPAD
_ANCHORS_OUT = np.ascontiguousarray(_np_all_anchors()[None])

_A = _ANCHORS_OUT[0]
_ax1, _ay1, _ax2, _ay2 = (_A[:, i] for i in range(4))
_area_a = (_ax2 - _ax1) * (_ay2 - _ay1)
_aw = _ax2 - _ax1 + np.float32(1.0)
_ah = _ay2 - _ay1 + np.float32(1.0)
_acx = _ax1 + np.float32(0.5) * _aw
_acy = _ay1 + np.float32(0.5) * _ah
_ANC_TC = np.stack([_ax1, _ay1, _ax2, _ay2, _area_a, _acx, _acy,
                    _aw, _ah, np.log(_aw), np.log(_ah)]).astype(np.float32)
_ANC_TC = _ANC_TC[:, N_SC:]
_ANC_TC = np.concatenate(
    [_ANC_TC, np.repeat(_ANC_TC[:, -1:], N_TC_PAD - N_TC, axis=1)], axis=1)
_ANC_TC = np.ascontiguousarray(_ANC_TC.reshape(11, N_TC_PAD // 128, 128))


@functools.cache
def _build_sc_kernel():
    mesh = plsc.VectorSubcoreMesh(core_axis_name="c", subcore_axis_name="s",
                                  num_cores=NC, num_subcores=NS)
    return pl.kernel(
        _anchor_target_sc,
        out_type=(jax.ShapeDtypeStruct((1, N), jnp.float32),
                  jax.ShapeDtypeStruct((1, 4, N), jnp.float32)),
        mesh=mesh,
        scratch_types=[
            pltpu.VMEM((10 * GPAD + 96,), jnp.float32),
            pltpu.VMEM((PER_W,), jnp.float32),
            pltpu.VMEM((4 * PER_W,), jnp.float32),
        ],
        compiler_params=pltpu.CompilerParams(needs_layout_passes=False,
                                             use_tc_tiling_on_sc=False),
    )


def _anchor_target_sc(gtt_hbm, lab_hbm, bbox_hbm, gtt_v, lab_v, bbox_v):
    wid = lax.axis_index("s") * NC + lax.axis_index("c")
    pltpu.sync_copy(gtt_hbm, gtt_v)
    iota = lax.iota(jnp.int32, 16)
    iota9 = iota * 9
    rows = [jnp.full((16,), r * GPAD, jnp.int32) for r in range(10)]

    def rx_body(j, _):
        b = wid * JPW + j
        y = lax.shift_right_logical(b, 2)
        syf = (y.astype(jnp.float32) + 0.5) * np.float32(STRIDE)
        syv = jnp.full((16,), syf, jnp.float32)
        xb = lax.bitwise_and(b, 3)
        xv = xb * 16 + iota
        sxv = (xv.astype(jnp.float32) + 0.5) * np.float32(STRIDE)
        obase = j * 144 + iota9

        def kg_body(kg, _kg):
            cons = []
            kidxs = []
            for c in range(KG):
                kidx = jnp.full((16,), GT_LEN, jnp.int32) + (KG * kg + c)
                kidxs.append(kidx)
                ax1 = sxv + plsc.load_gather(gtt_v, [kidx])
                ax2 = sxv + plsc.load_gather(gtt_v, [kidx + 16])
                ay1 = syv + plsc.load_gather(gtt_v, [kidx + 32])
                ay2 = syv + plsc.load_gather(gtt_v, [kidx + 48])
                area = (ax2 - ax1) * (ay2 - ay1)
                cons.append((ax1, ay1, ax2, ay2, area))

            def gt_once(g, carry):
                idxg = jnp.full((16,), g, jnp.int32)
                gx1 = plsc.load_gather(gtt_v, [rows[0] + idxg])
                gy1 = plsc.load_gather(gtt_v, [rows[1] + idxg])
                gx2 = plsc.load_gather(gtt_v, [rows[2] + idxg])
                gy2 = plsc.load_gather(gtt_v, [rows[3] + idxg])
                ga = plsc.load_gather(gtt_v, [rows[4] + idxg])
                out = []
                for c in range(KG):
                    ax1, ay1, ax2, ay2, aa = cons[c]
                    bi, bx = carry[2 * c], carry[2 * c + 1]
                    iw = jnp.maximum(
                        jnp.minimum(ax2, gx2) - jnp.maximum(ax1, gx1), 0.0)
                    ih = jnp.maximum(
                        jnp.minimum(ay2, gy2) - jnp.maximum(ay1, gy1), 0.0)
                    inter = iw * ih
                    iou = inter / (aa + ga - inter)
                    upd = iou > bi
                    out.append(jnp.where(upd, iou, bi))
                    out.append(jnp.where(upd, idxg, bx))
                return tuple(out)

            init = ()
            for c in range(KG):
                init += (jnp.full((16,), -1.0, jnp.float32),
                         jnp.zeros((16,), jnp.int32))
            best = lax.fori_loop(0, G, gt_once, init)

            for c in range(KG):
                bi, bx = best[2 * c], best[2 * c + 1]
                gcx = plsc.load_gather(gtt_v, [rows[5] + bx])
                gcy = plsc.load_gather(gtt_v, [rows[6] + bx])
                lgw = plsc.load_gather(gtt_v, [rows[7] + bx])
                lgh = plsc.load_gather(gtt_v, [rows[8] + bx])
                cl = plsc.load_gather(gtt_v, [rows[9] + bx])
                law = plsc.load_gather(gtt_v, [kidxs[c] + 64])
                lah = plsc.load_gather(gtt_v, [kidxs[c] + 80])
                ax1, ay1, ax2, ay2, _ = cons[c]
                aw = (ax2 - ax1) + 1.0
                ah = (ay2 - ay1) + 1.0
                acx = ax1 + 0.5 * aw
                acy = ay1 + 0.5 * ah
                lab = jnp.where(bi < NEGATIVE_OVERLAP, 0.0, -1.0)
                lab = jnp.where(bi >= POSITIVE_OVERLAP, cl, lab)
                oidx = obase + (KG * kg + c)
                plsc.store_scatter(lab_v, [oidx], lab)
                plsc.store_scatter(bbox_v, [oidx], (gcx - acx) / aw)
                plsc.store_scatter(bbox_v, [oidx + PER_W], (gcy - acy) / ah)
                plsc.store_scatter(bbox_v, [oidx + 2 * PER_W], lgw - law)
                plsc.store_scatter(bbox_v, [oidx + 3 * PER_W], lgh - lah)
            return 0

        lax.fori_loop(0, 9 // KG, kg_body, 0)
        return 0

    lax.fori_loop(0, JPW, rx_body, 0)
    pltpu.sync_copy(lab_v, lab_hbm.at[0, pl.ds(wid * PER_W, PER_W)])
    for c in range(4):
        pltpu.sync_copy(bbox_v.at[pl.ds(c * PER_W, PER_W)],
                        bbox_hbm.at[0, c, pl.ds(wid * PER_W, PER_W)])


def _anchor_target_tc(anc_ref, gtb_ref, lab_ref, bbox_ref):
    ax1 = anc_ref[0]
    ay1 = anc_ref[1]
    ax2 = anc_ref[2]
    ay2 = anc_ref[3]
    aa = anc_ref[4]

    def gt_step(g, carry):
        bi, bgcx, bgcy, blgw, blgh, bcls = carry
        gx1 = gtb_ref[0, g]
        gy1 = gtb_ref[1, g]
        gx2 = gtb_ref[2, g]
        gy2 = gtb_ref[3, g]
        ga = gtb_ref[4, g]
        gcx = gtb_ref[5, g]
        gcy = gtb_ref[6, g]
        lgw = gtb_ref[7, g]
        lgh = gtb_ref[8, g]
        cl = gtb_ref[9, g]
        iw = jnp.maximum(jnp.minimum(ax2, gx2) - jnp.maximum(ax1, gx1), 0.0)
        ih = jnp.maximum(jnp.minimum(ay2, gy2) - jnp.maximum(ay1, gy1), 0.0)
        inter = iw * ih
        iou = inter / (aa + ga - inter)
        upd = iou > bi
        return (jnp.where(upd, iou, bi),
                jnp.where(upd, gcx, bgcx),
                jnp.where(upd, gcy, bgcy),
                jnp.where(upd, lgw, blgw),
                jnp.where(upd, lgh, blgh),
                jnp.where(upd, cl, bcls))

    zeros = jnp.zeros((TC_ROWS, 128), jnp.float32)
    init = (jnp.full((TC_ROWS, 128), -1.0, jnp.float32),
            zeros, zeros, zeros, zeros, zeros)
    def gt_step4(g4, carry):
        for u in range(4):
            carry = gt_step(4 * g4 + u, carry)
        return carry

    bi, bgcx, bgcy, blgw, blgh, bcls = lax.fori_loop(0, G // 4, gt_step4,
                                                     init)
    lab = jnp.where(bi < NEGATIVE_OVERLAP, 0.0, -1.0)
    lab_ref[...] = jnp.where(bi >= POSITIVE_OVERLAP, bcls, lab)
    bbox_ref[0] = (bgcx - anc_ref[5]) / anc_ref[7]
    bbox_ref[1] = (bgcy - anc_ref[6]) / anc_ref[8]
    bbox_ref[2] = blgw - anc_ref[9]
    bbox_ref[3] = blgh - anc_ref[10]


@functools.cache
def _build_tc_kernel():
    return pl.pallas_call(
        _anchor_target_tc,
        grid=(TC_BLOCKS,),
        in_specs=[
            pl.BlockSpec((11, TC_ROWS, 128), lambda b: (0, b, 0)),
            pl.BlockSpec(memory_space=pltpu.SMEM),
        ],
        out_specs=[
            pl.BlockSpec((TC_ROWS, 128), lambda b: (b, 0)),
            pl.BlockSpec((4, TC_ROWS, 128), lambda b: (0, b, 0)),
        ],
        out_shape=[
            jax.ShapeDtypeStruct((N_TC_PAD // 128, 128), jnp.float32),
            jax.ShapeDtypeStruct((4, N_TC_PAD // 128, 128), jnp.float32),
        ],
    )


def kernel(features_shape, image_shape, gt_boxes):
    del features_shape, image_shape
    gt = gt_boxes[0]
    gx1, gy1, gx2, gy2, cls = (gt[:, i] for i in range(5))
    area_g = (gx2 - gx1) * (gy2 - gy1)
    gw = gx2 - gx1 + 1.0
    gh = gy2 - gy1 + 1.0
    gcx = gx1 + 0.5 * gw
    gcy = gy1 + 0.5 * gh
    gtt2d = jnp.pad(
        jnp.stack([gx1, gy1, gx2, gy2, area_g,
                   gcx, gcy, jnp.log(gw), jnp.log(gh), cls]),
        ((0, 0), (0, GPAD - G)))
    sc_labels, sc_bbox = _build_sc_kernel()(
        jnp.concatenate([gtt2d.reshape(-1), jnp.asarray(_KTAB)]))
    tc_labels, tc_bbox = _build_tc_kernel()(jnp.asarray(_ANC_TC), gtt2d)
    labels = lax.dynamic_update_slice(
        sc_labels, tc_labels.reshape(1, N_TC_PAD)[:, :N_TC], (0, N_SC))
    bbox_planar = lax.dynamic_update_slice(
        sc_bbox, tc_bbox.reshape(1, 4, N_TC_PAD)[:, :, :N_TC], (0, 0, N_SC))
    bbox = jnp.transpose(bbox_planar, (0, 2, 1))
    return labels, bbox, jnp.asarray(_ANCHORS_OUT)

# --- scband reference (transcript-rebuilt; emitter-appended) ---
"""Pipeline reference for scband-anchor-target-20933670600880 (READ-ONLY COPY).

The authoritative reference and input builder live on the scoring server;
editing this copy changes nothing except your own understanding.
"""

import jax, jax.numpy as jnp
import numpy as np

STRIDE = 16
ANCHOR_SIZE = 16
NUM_ANCHORS = 9
NEGATIVE_OVERLAP = 0.4
POSITIVE_OVERLAP = 0.5


def _generate_anchors(base_size):
    ratios = np.array([0.5, 1.0, 2.0])
    scales = np.array([2 ** 0.0, 2 ** (1.0 / 3.0), 2 ** (2.0 / 3.0)])
    num = len(ratios) * len(scales)
    anchors = np.zeros((num, 4))
    anchors[:, 2:] = base_size * np.tile(scales, (2, len(ratios))).T
    areas = anchors[:, 2] * anchors[:, 3]
    rep = np.repeat(ratios, len(scales))
    anchors[:, 2] = np.sqrt(areas / rep)
    anchors[:, 3] = anchors[:, 2] * rep
    anchors[:, 0::2] -= np.tile(anchors[:, 2] * 0.5, (2, 1)).T
    anchors[:, 1::2] -= np.tile(anchors[:, 3] * 0.5, (2, 1)).T
    return jnp.asarray(anchors, dtype=jnp.float32)


def _shift(shape_hw, stride, anchors):
    shift_x = (jnp.arange(0, shape_hw[1], dtype=jnp.float32) + 0.5) * stride
    shift_y = (jnp.arange(0, shape_hw[0], dtype=jnp.float32) + 0.5) * stride
    sx, sy = jnp.meshgrid(shift_x, shift_y)
    shifts = jnp.stack([sx.ravel(), sy.ravel(), sx.ravel(), sy.ravel()], axis=1)
    A = anchors.shape[0]
    K = shifts.shape[0]
    all_anchors = anchors[None, :, :] + shifts[:, None, :]
    return all_anchors.reshape((K * A, 4))


def _overlaps(anchors, gt):
    area_g = (gt[:, 2] - gt[:, 0]) * (gt[:, 3] - gt[:, 1])
    area_a = (anchors[:, 2] - anchors[:, 0]) * (anchors[:, 3] - anchors[:, 1])
    iw = jnp.minimum(anchors[:, None, 2], gt[None, :, 2]) - jnp.maximum(anchors[:, None, 0], gt[None, :, 0])
    ih = jnp.minimum(anchors[:, None, 3], gt[None, :, 3]) - jnp.maximum(anchors[:, None, 1], gt[None, :, 1])
    iw = jnp.maximum(iw, 0.0)
    ih = jnp.maximum(ih, 0.0)
    inter = iw * ih
    union = area_a[:, None] + area_g[None, :] - inter
    return inter / jnp.maximum(union, 1e-8)


def _bbox_transform(anchors, gt):
    aw = anchors[:, 2] - anchors[:, 0] + 1.0
    ah = anchors[:, 3] - anchors[:, 1] + 1.0
    acx = anchors[:, 0] + 0.5 * aw
    acy = anchors[:, 1] + 0.5 * ah
    gw = gt[:, 2] - gt[:, 0] + 1.0
    gh = gt[:, 3] - gt[:, 1] + 1.0
    gcx = gt[:, 0] + 0.5 * gw
    gcy = gt[:, 1] + 0.5 * gh
    dx = (gcx - acx) / aw
    dy = (gcy - acy) / ah
    dw = jnp.log(gw / aw)
    dh = jnp.log(gh / ah)
    return jnp.stack([dx, dy, dw, dh], axis=1)


def setup_inputs(seed: int = 0) -> dict:
    key = jax.random.key(seed)
    k1, k2, k3, k4 = jax.random.split(key, 4)
    G = 100
    x1 = jax.random.uniform(k1, (G,), minval=0.0, maxval=880.0)
    y1 = jax.random.uniform(k2, (G,), minval=0.0, maxval=880.0)
    wh = jax.random.uniform(k3, (G, 2), minval=16.0, maxval=140.0)
    cls = jax.random.randint(k4, (G,), 1, 81).astype(jnp.float32)
    gt = jnp.stack([x1, y1, x1 + wh[:, 0], y1 + wh[:, 1], cls], axis=1)[None]
    return {
        "features_shape": jnp.array([64, 64], dtype=jnp.int32),
        "image_shape": jnp.array([1024, 1024, 3], dtype=jnp.int32),
        "gt_boxes": gt,
    }


def reference(features_shape, image_shape, gt_boxes):
    gt = gt_boxes[0]
    fh = 64
    fw = 64
    base_anchors = _generate_anchors(ANCHOR_SIZE)
    anchors = _shift((fh, fw), STRIDE, base_anchors)
    anchors = anchors + features_shape.astype(jnp.float32).sum() * 0.0
    N = anchors.shape[0]
    overlaps = _overlaps(anchors, gt[:, :4])
    argmax_overlaps_inds = jnp.argmax(overlaps, axis=1)
    max_overlaps = jnp.max(overlaps, axis=1)
    labels = -jnp.ones((N,), dtype=jnp.float32)
    # clobber_positives=False: negatives assigned first, positives may override
    labels = jnp.where(max_overlaps < NEGATIVE_OVERLAP, 0.0, labels)
    labels = jnp.where(max_overlaps >= POSITIVE_OVERLAP, 1.0, labels)
    gt_per_anchor = jnp.take(gt, argmax_overlaps_inds, axis=0)
    bbox_reg_targets = _bbox_transform(anchors, gt_per_anchor)
    labels = jnp.where(labels == 1.0, gt_per_anchor[:, 4], labels)
    return (labels[None, :], bbox_reg_targets[None, :, :], anchors[None, :, :])

if __name__ == "__main__":
    import jax
    _d = setup_inputs()
    print(jax.jit(kernel)(*tuple(_d.values())))

</pallas_src>

<mosaic_0001>
#map = affine_map<(d0, d1) -> (0)>
#map1 = affine_map<(d0, d1) -> (0, 0)>
#map2 = affine_map<(d0, d1) -> (0, 0, 0)>
module attributes {stable_mosaic.version = 14 : i64} {
  func.func @_anchor_target_sc(%arg0: i32, %arg1: i32, %arg2: memref<1376xf32, #tpu.memory_space<hbm>>, %arg3: memref<1x36864xf32, #tpu.memory_space<hbm>>, %arg4: memref<1x4x36864xf32, #tpu.memory_space<hbm>>, %arg5: memref<1376xf32, #tpu.memory_space<vmem>>, %arg6: memref<432xf32, #tpu.memory_space<vmem>>, %arg7: memref<1728xf32, #tpu.memory_space<vmem>>) attributes {dimension_semantics = [#tpu.dimension_semantics<core_parallel>, #tpu.dimension_semantics<subcore_parallel>], iteration_bounds = array<i64: 2, 16>, scalar_prefetch = 0 : i64, scratch_operands = 3 : i64, tpu.core_type = #tpu.core_type<sc_vector_subcore>, window_params = [{transform_indices = #map}, {transform_indices = #map1}, {transform_indices = #map2}]} {
    %mul3A = arith.constant 2 : i32
    %mul3A_0 = arith.muli %arg1, %mul3A : i32
    %add3A = arith.addi %mul3A_0, %arg0 : i32
    "tpu.region"() ({
      %run_scoped3A_47 = tpu.sem_alloc : memref<!tpu.dma_semaphore, #tpu.memory_space<semaphore_mem>>
      tpu.enqueue_dma source(%arg2 : memref<1376xf32, #tpu.memory_space<hbm>>) target(%arg5 : memref<1376xf32, #tpu.memory_space<vmem>>) target_semaphore(%run_scoped3A_47 : memref<!tpu.dma_semaphore, #tpu.memory_space<semaphore_mem>>)
      tpu.wait_dma2 semaphore(%run_scoped3A_47 : memref<!tpu.dma_semaphore, #tpu.memory_space<semaphore_mem>>) src(%arg2 : memref<1376xf32, #tpu.memory_space<hbm>>) dst(%arg5 : memref<1376xf32, #tpu.memory_space<vmem>>)
      tpu.yield
    }) : () -> ()
    %iota3A = tpu.iota {dimensions = array<i32: 0>} : vector<16xi32>
    %mul3A_1 = arith.constant 9 : i32
    %mul3A_2 = vector.broadcast %mul3A_1 : i32 to vector<16xi32>
    %mul3A_3 = arith.muli %iota3A, %mul3A_2 : vector<16xi32>
    %broadcast_in_dim3A = arith.constant 0 : i32
    %broadcast_in_dim3A_4 = vector.broadcast %broadcast_in_dim3A : i32 to vector<16xi32>
    %broadcast_in_dim3A_5 = arith.constant 128 : i32
    %broadcast_in_dim3A_6 = vector.broadcast %broadcast_in_dim3A_5 : i32 to vector<16xi32>
    %broadcast_in_dim3A_7 = arith.constant 256 : i32
    %broadcast_in_dim3A_8 = vector.broadcast %broadcast_in_dim3A_7 : i32 to vector<16xi32>
    %broadcast_in_dim3A_9 = arith.constant 384 : i32
    %broadcast_in_dim3A_10 = vector.broadcast %broadcast_in_dim3A_9 : i32 to vector<16xi32>
    %broadcast_in_dim3A_11 = arith.constant 512 : i32
    %broadcast_in_dim3A_12 = vector.broadcast %broadcast_in_dim3A_11 : i32 to vector<16xi32>
    %broadcast_in_dim3A_13 = arith.constant 640 : i32
    %broadcast_in_dim3A_14 = vector.broadcast %broadcast_in_dim3A_13 : i32 to vector<16xi32>
    %broadcast_in_dim3A_15 = arith.constant 768 : i32
    %broadcast_in_dim3A_16 = vector.broadcast %broadcast_in_dim3A_15 : i32 to vector<16xi32>
    %broadcast_in_dim3A_17 = arith.constant 896 : i32
    %broadcast_in_dim3A_18 = vector.broadcast %broadcast_in_dim3A_17 : i32 to vector<16xi32>
    %broadcast_in_dim3A_19 = arith.constant 1024 : i32
    %broadcast_in_dim3A_20 = vector.broadcast %broadcast_in_dim3A_19 : i32 to vector<16xi32>
    %broadcast_in_dim3A_21 = arith.constant 1152 : i32
    %broadcast_in_dim3A_22 = vector.broadcast %broadcast_in_dim3A_21 : i32 to vector<16xi32>
    %scan3A = arith.constant 0 : i32
    %scan3A_23 = arith.constant 0 : i32
    %scan3A_24 = arith.constant 3 : i32
    %scan3A_25 = arith.addi %scan3A_23, %scan3A_24 : i32
    %scan3A_26 = arith.constant 1 : i32
    %scan3A_27 = scf.for %scan3A_47 = %scan3A_23 to %scan3A_25 step %scan3A_26 iter_args(%scan3A_48 = %scan3A) -> (i32)  : i32 {
      %mul3A_49 = arith.constant 3 : i32
      %mul3A_50 = arith.muli %add3A, %mul3A_49 : i32
      %add3A_51 = arith.addi %mul3A_50, %scan3A_47 : i32
      %shift_right_logical3A = arith.constant 2 : i32
      %shift_right_logical3A_52 = arith.shrui %add3A_51, %shift_right_logical3A : i32
      %convert_element_type3A = arith.sitofp %shift_right_logical3A_52 : i32 to f32
      %add3A_53 = arith.constant 5.000000e-01 : f32
      %add3A_54 = arith.addf %convert_element_type3A, %add3A_53 : f32
      %mul3A_55 = arith.constant 1.600000e+01 : f32
      %mul3A_56 = arith.mulf %add3A_54, %mul3A_55 : f32
      %broadcast_in_dim3A_57 = vector.broadcast %mul3A_56 : f32 to vector<16xf32>
      %and3A = arith.constant 3 : i32
      %and3A_58 = arith.andi %add3A_51, %and3A : i32
      %mul3A_59 = arith.constant 16 : i32
      %mul3A_60 = arith.muli %and3A_58, %mul3A_59 : i32
      %add3A_61 = vector.broadcast %mul3A_60 : i32 to vector<16xi32>
      %add3A_62 = arith.addi %add3A_61, %iota3A : vector<16xi32>
      %convert_element_type3A_63 = arith.sitofp %add3A_62 : vector<16xi32> to vector<16xf32>
      %add3A_64 = arith.constant 5.000000e-01 : f32
      %add3A_65 = vector.broadcast %add3A_64 : f32 to vector<16xf32>
      %add3A_66 = arith.addf %convert_element_type3A_63, %add3A_65 : vector<16xf32>
      %mul3A_67 = arith.constant 1.600000e+01 : f32
      %mul3A_68 = vector.broadcast %mul3A_67 : f32 to vector<16xf32>
      %mul3A_69 = arith.mulf %add3A_66, %mul3A_68 : vector<16xf32>
      %mul3A_70 = arith.constant 144 : i32
      %mul3A_71 = arith.muli %scan3A_47, %mul3A_70 : i32
      %add3A_72 = vector.broadcast %mul3A_71 : i32 to vector<16xi32>
      %add3A_73 = arith.addi %add3A_72, %mul3A_3 : vector<16xi32>
      %scan3A_74 = arith.constant 0 : i32
      %scan3A_75 = arith.constant 0 : i32
      %scan3A_76 = arith.constant 3 : i32
      %scan3A_77 = arith.addi %scan3A_75, %scan3A_76 : i32
      %scan3A_78 = arith.constant 1 : i32
      %scan3A_79 = scf.for %scan3A_82 = %scan3A_75 to %scan3A_77 step %scan3A_78 iter_args(%scan3A_83 = %scan3A_74) -> (i32)  : i32 {
        %broadcast_in_dim3A_84 = arith.constant 1280 : i32
        %broadcast_in_dim3A_85 = vector.broadcast %broadcast_in_dim3A_84 : i32 to vector<16xi32>
        %mul3A_86 = arith.constant 3 : i32
        %mul3A_87 = arith.muli %mul3A_86, %scan3A_82 : i32
        %add3A_88 = arith.constant 0 : i32
        %add3A_89 = arith.addi %mul3A_87, %add3A_88 : i32
        %add3A_90 = vector.broadcast %add3A_89 : i32 to vector<16xi32>
        %add3A_91 = arith.addi %broadcast_in_dim3A_85, %add3A_90 : vector<16xi32>
        %gather3A = tpu.vector_load_idx %arg5[%add3A_91] : memref<1376xf32, #tpu.memory_space<vmem>>[vector<16xi32>], vector<16xf32>,
        %add3A_92 = arith.addf %mul3A_69, %gather3A : vector<16xf32>
        %add3A_93 = arith.constant 16 : i32
        %add3A_94 = vector.broadcast %add3A_93 : i32 to vector<16xi32>
        %add3A_95 = arith.addi %add3A_91, %add3A_94 : vector<16xi32>
        %gather3A_96 = tpu.vector_load_idx %arg5[%add3A_95] : memref<1376xf32, #tpu.memory_space<vmem>>[vector<16xi32>], vector<16xf32>,
        %add3A_97 = arith.addf %mul3A_69, %gather3A_96 : vector<16xf32>
        %add3A_98 = arith.constant 32 : i32
        %add3A_99 = vector.broadcast %add3A_98 : i32 to vector<16xi32>
        %add3A_100 = arith.addi %add3A_91, %add3A_99 : vector<16xi32>
        %gather3A_101 = tpu.vector_load_idx %arg5[%add3A_100] : memref<1376xf32, #tpu.memory_space<vmem>>[vector<16xi32>], vector<16xf32>,
        %add3A_102 = arith.addf %broadcast_in_dim3A_57, %gather3A_101 : vector<16xf32>
        %add3A_103 = arith.constant 48 : i32
        %add3A_104 = vector.broadcast %add3A_103 : i32 to vector<16xi32>
        %add3A_105 = arith.addi %add3A_91, %add3A_104 : vector<16xi32>
        %gather3A_106 = tpu.vector_load_idx %arg5[%add3A_105] : memref<1376xf32, #tpu.memory_space<vmem>>[vector<16xi32>], vector<16xf32>,
        %add3A_107 = arith.addf %broadcast_in_dim3A_57, %gather3A_106 : vector<16xf32>
        %sub3A = arith.subf %add3A_97, %add3A_92 : vector<16xf32>
        %sub3A_108 = arith.subf %add3A_107, %add3A_102 : vector<16xf32>
        %mul3A_109 = arith.mulf %sub3A, %sub3A_108 : vector<16xf32>
        %broadcast_in_dim3A_110 = arith.constant 1280 : i32
        %broadcast_in_dim3A_111 = vector.broadcast %broadcast_in_dim3A_110 : i32 to vector<16xi32>
        %mul3A_112 = arith.constant 3 : i32
        %mul3A_113 = arith.muli %mul3A_112, %scan3A_82 : i32
        %add3A_114 = arith.constant 1 : i32
        %add3A_115 = arith.addi %mul3A_113, %add3A_114 : i32
        %add3A_116 = vector.broadcast %add3A_115 : i32 to vector<16xi32>
        %add3A_117 = arith.addi %broadcast_in_dim3A_111, %add3A_116 : vector<16xi32>
        %gather3A_118 = tpu.vector_load_idx %arg5[%add3A_117] : memref<1376xf32, #tpu.memory_space<vmem>>[vector<16xi32>], vector<16xf32>,
        %add3A_119 = arith.addf %mul3A_69, %gather3A_118 : vector<16xf32>
        %add3A_120 = arith.constant 16 : i32
        %add3A_121 = vector.broadcast %add3A_120 : i32 to vector<16xi32>
        %add3A_122 = arith.addi %add3A_117, %add3A_121 : vector<16xi32>
        %gather3A_123 = tpu.vector_load_idx %arg5[%add3A_122] : memref<1376xf32, #tpu.memory_space<vmem>>[vector<16xi32>], vector<16xf32>,
        %add3A_124 = arith.addf %mul3A_69, %gather3A_123 : vector<16xf32>
        %add3A_125 = arith.constant 32 : i32
        %add3A_126 = vector.broadcast %add3A_125 : i32 to vector<16xi32>
        %add3A_127 = arith.addi %add3A_117, %add3A_126 : vector<16xi32>
        %gather3A_128 = tpu.vector_load_idx %arg5[%add3A_127] : memref<1376xf32, #tpu.memory_space<vmem>>[vector<16xi32>], vector<16xf32>,
        %add3A_129 = arith.addf %broadcast_in_dim3A_57, %gather3A_128 : vector<16xf32>
        %add3A_130 = arith.constant 48 : i32
        %add3A_131 = vector.broadcast %add3A_130 : i32 to vector<16xi32>
        %add3A_132 = arith.addi %add3A_117, %add3A_131 : vector<16xi32>
        %gather3A_133 = tpu.vector_load_idx %arg5[%add3A_132] : memref<1376xf32, #tpu.memory_space<vmem>>[vector<16xi32>], vector<16xf32>,
        %add3A_134 = arith.addf %broadcast_in_dim3A_57, %gather3A_133 : vector<16xf32>
        %sub3A_135 = arith.subf %add3A_124, %add3A_119 : vector<16xf32>
        %sub3A_136 = arith.subf %add3A_134, %add3A_129 : vector<16xf32>
        %mul3A_137 = arith.mulf %sub3A_135, %sub3A_136 : vector<16xf32>
        %broadcast_in_dim3A_138 = arith.constant 1280 : i32
        %broadcast_in_dim3A_139 = vector.broadcast %broadcast_in_dim3A_138 : i32 to vector<16xi32>
        %mul3A_140 = arith.constant 3 : i32
        %mul3A_141 = arith.muli %mul3A_140, %scan3A_82 : i32
        %add3A_142 = arith.constant 2 : i32
        %add3A_143 = arith.addi %mul3A_141, %add3A_142 : i32
        %add3A_144 = vector.broadcast %add3A_143 : i32 to vector<16xi32>
        %add3A_145 = arith.addi %broadcast_in_dim3A_139, %add3A_144 : vector<16xi32>
        %gather3A_146 = tpu.vector_load_idx %arg5[%add3A_145] : memref<1376xf32, #tpu.memory_space<vmem>>[vector<16xi32>], vector<16xf32>,
        %add3A_147 = arith.addf %mul3A_69, %gather3A_146 : vector<16xf32>
        %add3A_148 = arith.constant 16 : i32
        %add3A_149 = vector.broadcast %add3A_148 : i32 to vector<16xi32>
        %add3A_150 = arith.addi %add3A_145, %add3A_149 : vector<16xi32>
        %gather3A_151 = tpu.vector_load_idx %arg5[%add3A_150] : memref<1376xf32, #tpu.memory_space<vmem>>[vector<16xi32>], vector<16xf32>,
        %add3A_152 = arith.addf %mul3A_69, %gather3A_151 : vector<16xf32>
        %add3A_153 = arith.constant 32 : i32
        %add3A_154 = vector.broadcast %add3A_153 : i32 to vector<16xi32>
        %add3A_155 = arith.addi %add3A_145, %add3A_154 : vector<16xi32>
        %gather3A_156 = tpu.vector_load_idx %arg5[%add3A_155] : memref<1376xf32, #tpu.memory_space<vmem>>[vector<16xi32>], vector<16xf32>,
        %add3A_157 = arith.addf %broadcast_in_dim3A_57, %gather3A_156 : vector<16xf32>
        %add3A_158 = arith.constant 48 : i32
        %add3A_159 = vector.broadcast %add3A_158 : i32 to vector<16xi32>
        %add3A_160 = arith.addi %add3A_145, %add3A_159 : vector<16xi32>
        %gather3A_161 = tpu.vector_load_idx %arg5[%add3A_160] : memref<1376xf32, #tpu.memory_space<vmem>>[vector<16xi32>], vector<16xf32>,
        %add3A_162 = arith.addf %broadcast_in_dim3A_57, %gather3A_161 : vector<16xf32>
        %sub3A_163 = arith.subf %add3A_152, %add3A_147 : vector<16xf32>
        %sub3A_164 = arith.subf %add3A_162, %add3A_157 : vector<16xf32>
        %mul3A_165 = arith.mulf %sub3A_163, %sub3A_164 : vector<16xf32>
        %broadcast_in_dim3A_166 = arith.constant -1.000000e+00 : f32
        %broadcast_in_dim3A_167 = vector.broadcast %broadcast_in_dim3A_166 : f32 to vector<16xf32>
        %broadcast_in_dim3A_168 = arith.constant 0 : i32
        %broadcast_in_dim3A_169 = vector.broadcast %broadcast_in_dim3A_168 : i32 to vector<16xi32>
        %broadcast_in_dim3A_170 = arith.constant -1.000000e+00 : f32
        %broadcast_in_dim3A_171 = vector.broadcast %broadcast_in_dim3A_170 : f32 to vector<16xf32>
        %broadcast_in_dim3A_172 = arith.constant 0 : i32
        %broadcast_in_dim3A_173 = vector.broadcast %broadcast_in_dim3A_172 : i32 to vector<16xi32>
        %broadcast_in_dim3A_174 = arith.constant -1.000000e+00 : f32
        %broadcast_in_dim3A_175 = vector.broadcast %broadcast_in_dim3A_174 : f32 to vector<16xf32>
        %broadcast_in_dim3A_176 = arith.constant 0 : i32
        %broadcast_in_dim3A_177 = vector.broadcast %broadcast_in_dim3A_176 : i32 to vector<16xi32>
        %scan3A_178 = arith.constant 0 : i32
        %scan3A_179 = arith.constant 100 : i32
        %scan3A_180 = arith.addi %scan3A_178, %scan3A_179 : i32
        %scan3A_181 = arith.constant 1 : i32
        %scan3A_182:6 = scf.for %scan3A_381 = %scan3A_178 to %scan3A_180 step %scan3A_181 iter_args(%scan3A_382 = %broadcast_in_dim3A_167, %scan3A_383 = %broadcast_in_dim3A_169, %scan3A_384 = %broadcast_in_dim3A_171, %scan3A_385 = %broadcast_in_dim3A_173, %scan3A_386 = %broadcast_in_dim3A_175, %scan3A_387 = %broadcast_in_dim3A_177) -> (vector<16xf32>, vector<16xi32>, vector<16xf32>, vector<16xi32>, vector<16xf32>, vector<16xi32>)  : i32 {
          %broadcast_in_dim3A_388 = vector.broadcast %scan3A_381 : i32 to vector<16xi32>
          %add3A_389 = arith.addi %broadcast_in_dim3A_4, %broadcast_in_dim3A_388 : vector<16xi32>
          %gather3A_390 = tpu.vector_load_idx %arg5[%add3A_389] : memref<1376xf32, #tpu.memory_space<vmem>>[vector<16xi32>], vector<16xf32>,
          %add3A_391 = arith.addi %broadcast_in_dim3A_6, %broadcast_in_dim3A_388 : vector<16xi32>
          %gather3A_392 = tpu.vector_load_idx %arg5[%add3A_391] : memref<1376xf32, #tpu.memory_space<vmem>>[vector<16xi32>], vector<16xf32>,
          %add3A_393 = arith.addi %broadcast_in_dim3A_8, %broadcast_in_dim3A_388 : vector<16xi32>
          %gather3A_394 = tpu.vector_load_idx %arg5[%add3A_393] : memref<1376xf32, #tpu.memory_space<vmem>>[vector<16xi32>], vector<16xf32>,
          %add3A_395 = arith.addi %broadcast_in_dim3A_10, %broadcast_in_dim3A_388 : vector<16xi32>
          %gather3A_396 = tpu.vector_load_idx %arg5[%add3A_395] : memref<1376xf32, #tpu.memory_space<vmem>>[vector<16xi32>], vector<16xf32>,
          %add3A_397 = arith.addi %broadcast_in_dim3A_12, %broadcast_in_dim3A_388 : vector<16xi32>
          %gather3A_398 = tpu.vector_load_idx %arg5[%add3A_397] : memref<1376xf32, #tpu.memory_space<vmem>>[vector<16xi32>], vector<16xf32>,
          %min3A = arith.minimumf %add3A_97, %gather3A_394 : vector<16xf32>
          %max3A = arith.maximumf %add3A_92, %gather3A_390 : vector<16xf32>
          %sub3A_399 = arith.subf %min3A, %max3A : vector<16xf32>
          %max3A_400 = arith.constant 0.000000e+00 : f32
          %max3A_401 = vector.broadcast %max3A_400 : f32 to vector<16xf32>
          %max3A_402 = arith.maximumf %sub3A_399, %max3A_401 : vector<16xf32>
          %min3A_403 = arith.minimumf %add3A_107, %gather3A_396 : vector<16xf32>
          %max3A_404 = arith.maximumf %add3A_102, %gather3A_392 : vector<16xf32>
          %sub3A_405 = arith.subf %min3A_403, %max3A_404 : vector<16xf32>
          %max3A_406 = arith.constant 0.000000e+00 : f32
          %max3A_407 = vector.broadcast %max3A_406 : f32 to vector<16xf32>
          %max3A_408 = arith.maximumf %sub3A_405, %max3A_407 : vector<16xf32>
          %mul3A_409 = arith.mulf %max3A_402, %max3A_408 : vector<16xf32>
          %add3A_410 = arith.addf %mul3A_109, %gather3A_398 : vector<16xf32>
          %sub3A_411 = arith.subf %add3A_410, %mul3A_409 : vector<16xf32>
          %div3A_412 = arith.divf %mul3A_409, %sub3A_411 : vector<16xf32>
          %gt3A = arith.cmpf ogt, %div3A_412, %scan3A_382 : vector<16xf32>
          %select_n3A_413 = arith.select %gt3A, %div3A_412, %scan3A_382 : vector<16xi1>, vector<16xf32>
          %select_n3A_414 = arith.select %gt3A, %broadcast_in_dim3A_388, %scan3A_383 : vector<16xi1>, vector<16xi32>
          %min3A_415 = arith.minimumf %add3A_124, %gather3A_394 : vector<16xf32>
          %max3A_416 = arith.maximumf %add3A_119, %gather3A_390 : vector<16xf32>
          %sub3A_417 = arith.subf %min3A_415, %max3A_416 : vector<16xf32>
          %max3A_418 = arith.constant 0.000000e+00 : f32
          %max3A_419 = vector.broadcast %max3A_418 : f32 to vector<16xf32>
          %max3A_420 = arith.maximumf %sub3A_417, %max3A_419 : vector<16xf32>
          %min3A_421 = arith.minimumf %add3A_134, %gather3A_396 : vector<16xf32>
          %max3A_422 = arith.maximumf %add3A_129, %gather3A_392 : vector<16xf32>
          %sub3A_423 = arith.subf %min3A_421, %max3A_422 : vector<16xf32>
          %max3A_424 = arith.constant 0.000000e+00 : f32
          %max3A_425 = vector.broadcast %max3A_424 : f32 to vector<16xf32>
          %max3A_426 = arith.maximumf %sub3A_423, %max3A_425 : vector<16xf32>
          %mul3A_427 = arith.mulf %max3A_420, %max3A_426 : vector<16xf32>
          %add3A_428 = arith.addf %mul3A_137, %gather3A_398 : vector<16xf32>
          %sub3A_429 = arith.subf %add3A_428, %mul3A_427 : vector<16xf32>
          %div3A_430 = arith.divf %mul3A_427, %sub3A_429 : vector<16xf32>
          %gt3A_431 = arith.cmpf ogt, %div3A_430, %scan3A_384 : vector<16xf32>
          %select_n3A_432 = arith.select %gt3A_431, %div3A_430, %scan3A_384 : vector<16xi1>, vector<16xf32>
          %select_n3A_433 = arith.select %gt3A_431, %broadcast_in_dim3A_388, %scan3A_385 : vector<16xi1>, vector<16xi32>
          %min3A_434 = arith.minimumf %add3A_152, %gather3A_394 : vector<16xf32>
          %max3A_435 = arith.maximumf %add3A_147, %gather3A_390 : vector<16xf32>
          %sub3A_436 = arith.subf %min3A_434, %max3A_435 : vector<16xf32>
          %max3A_437 = arith.constant 0.000000e+00 : f32
          %max3A_438 = vector.broadcast %max3A_437 : f32 to vector<16xf32>
          %max3A_439 = arith.maximumf %sub3A_436, %max3A_438 : vector<16xf32>
          %min3A_440 = arith.minimumf %add3A_162, %gather3A_396 : vector<16xf32>
          %max3A_441 = arith.maximumf %add3A_157, %gather3A_392 : vector<16xf32>
          %sub3A_442 = arith.subf %min3A_440, %max3A_441 : vector<16xf32>
          %max3A_443 = arith.constant 0.000000e+00 : f32
          %max3A_444 = vector.broadcast %max3A_443 : f32 to vector<16xf32>
          %max3A_445 = arith.maximumf %sub3A_442, %max3A_444 : vector<16xf32>
          %mul3A_446 = arith.mulf %max3A_439, %max3A_445 : vector<16xf32>
          %add3A_447 = arith.addf %mul3A_165, %gather3A_398 : vector<16xf32>
          %sub3A_448 = arith.subf %add3A_447, %mul3A_446 : vector<16xf32>
          %div3A_449 = arith.divf %mul3A_446, %sub3A_448 : vector<16xf32>
          %gt3A_450 = arith.cmpf ogt, %div3A_449, %scan3A_386 : vector<16xf32>
          %select_n3A_451 = arith.select %gt3A_450, %div3A_449, %scan3A_386 : vector<16xi1>, vector<16xf32>
          %select_n3A_452 = arith.select %gt3A_450, %broadcast_in_dim3A_388, %scan3A_387 : vector<16xi1>, vector<16xi32>
          scf.yield %select_n3A_413, %select_n3A_414, %select_n3A_432, %select_n3A_433, %select_n3A_451, %select_n3A_452 : vector<16xf32>, vector<16xi32>, vector<16xf32>, vector<16xi32>, vector<16xf32>, vector<16xi32>
        }
        %scan3A_183 = arith.constant 100 : i32
        %add3A_184 = arith.addi %broadcast_in_dim3A_14, %scan3A_182#1 : vector<16xi32>
        %gather3A_185 = tpu.vector_load_idx %arg5[%add3A_184] : memref<1376xf32, #tpu.memory_space<vmem>>[vector<16xi32>], vector<16xf32>,
        %add3A_186 = arith.addi %broadcast_in_dim3A_16, %scan3A_182#1 : vector<16xi32>
        %gather3A_187 = tpu.vector_load_idx %arg5[%add3A_186] : memref<1376xf32, #tpu.memory_space<vmem>>[vector<16xi32>], vector<16xf32>,
        %add3A_188 = arith.addi %broadcast_in_dim3A_18, %scan3A_182#1 : vector<16xi32>
        %gather3A_189 = tpu.vector_load_idx %arg5[%add3A_188] : memref<1376xf32, #tpu.memory_space<vmem>>[vector<16xi32>], vector<16xf32>,
        %add3A_190 = arith.addi %broadcast_in_dim3A_20, %scan3A_182#1 : vector<16xi32>
        %gather3A_191 = tpu.vector_load_idx %arg5[%add3A_190] : memref<1376xf32, #tpu.memory_space<vmem>>[vector<16xi32>], vector<16xf32>,
        %add3A_192 = arith.addi %broadcast_in_dim3A_22, %scan3A_182#1 : vector<16xi32>
        %gather3A_193 = tpu.vector_load_idx %arg5[%add3A_192] : memref<1376xf32, #tpu.memory_space<vmem>>[vector<16xi32>], vector<16xf32>,
        %add3A_194 = arith.constant 64 : i32
        %add3A_195 = vector.broadcast %add3A_194 : i32 to vector<16xi32>
        %add3A_196 = arith.addi %add3A_91, %add3A_195 : vector<16xi32>
        %gather3A_197 = tpu.vector_load_idx %arg5[%add3A_196] : memref<1376xf32, #tpu.memory_space<vmem>>[vector<16xi32>], vector<16xf32>,
        %add3A_198 = arith.constant 80 : i32
        %add3A_199 = vector.broadcast %add3A_198 : i32 to vector<16xi32>
        %add3A_200 = arith.addi %add3A_91, %add3A_199 : vector<16xi32>
        %gather3A_201 = tpu.vector_load_idx %arg5[%add3A_200] : memref<1376xf32, #tpu.memory_space<vmem>>[vector<16xi32>], vector<16xf32>,
        %sub3A_202 = arith.subf %add3A_97, %add3A_92 : vector<16xf32>
        %add3A_203 = arith.constant 1.000000e+00 : f32
        %add3A_204 = vector.broadcast %add3A_203 : f32 to vector<16xf32>
        %add3A_205 = arith.addf %sub3A_202, %add3A_204 : vector<16xf32>
        %sub3A_206 = arith.subf %add3A_107, %add3A_102 : vector<16xf32>
        %add3A_207 = arith.constant 1.000000e+00 : f32
        %add3A_208 = vector.broadcast %add3A_207 : f32 to vector<16xf32>
        %add3A_209 = arith.addf %sub3A_206, %add3A_208 : vector<16xf32>
        %mul3A_210 = arith.constant 5.000000e-01 : f32
        %mul3A_211 = vector.broadcast %mul3A_210 : f32 to vector<16xf32>
        %mul3A_212 = arith.mulf %mul3A_211, %add3A_205 : vector<16xf32>
        %add3A_213 = arith.addf %add3A_92, %mul3A_212 : vector<16xf32>
        %mul3A_214 = arith.constant 5.000000e-01 : f32
        %mul3A_215 = vector.broadcast %mul3A_214 : f32 to vector<16xf32>
        %mul3A_216 = arith.mulf %mul3A_215, %add3A_209 : vector<16xf32>
        %add3A_217 = arith.addf %add3A_102, %mul3A_216 : vector<16xf32>
        %lt3A = arith.constant 4.000000e-01 : f32
        %lt3A_218 = vector.broadcast %lt3A : f32 to vector<16xf32>
        %lt3A_219 = arith.cmpf olt, %scan3A_182#0, %lt3A_218 : vector<16xf32>
        %jit3A = arith.constant 0.000000e+00 : f32
        %jit3A_220 = arith.constant -1.000000e+00 : f32
        %broadcast_in_dim3A_221 = vector.broadcast %jit3A : f32 to vector<16xf32>
        %broadcast_in_dim3A_222 = vector.broadcast %jit3A_220 : f32 to vector<16xf32>
        %select_n3A = arith.select %lt3A_219, %broadcast_in_dim3A_221, %broadcast_in_dim3A_222 : vector<16xi1>, vector<16xf32>
        %ge3A = arith.constant 5.000000e-01 : f32
        %ge3A_223 = vector.broadcast %ge3A : f32 to vector<16xf32>
        %ge3A_224 = arith.cmpf oge, %scan3A_182#0, %ge3A_223 : vector<16xf32>
        %select_n3A_225 = arith.select %ge3A_224, %gather3A_193, %select_n3A : vector<16xi1>, vector<16xf32>
        %mul3A_226 = arith.constant 3 : i32
        %mul3A_227 = arith.muli %mul3A_226, %scan3A_82 : i32
        %add3A_228 = arith.constant 0 : i32
        %add3A_229 = arith.addi %mul3A_227, %add3A_228 : i32
        %add3A_230 = vector.broadcast %add3A_229 : i32 to vector<16xi32>
        %add3A_231 = arith.addi %add3A_73, %add3A_230 : vector<16xi32>
        tpu.vector_store_idx %arg6[%add3A_231], %select_n3A_225 : memref<432xf32, #tpu.memory_space<vmem>>[vector<16xi32>], vector<16xf32>,
        %sub3A_232 = arith.subf %gather3A_185, %add3A_213 : vector<16xf32>
        %div3A = arith.divf %sub3A_232, %add3A_205 : vector<16xf32>
        tpu.vector_store_idx %arg7[%add3A_231], %div3A : memref<1728xf32, #tpu.memory_space<vmem>>[vector<16xi32>], vector<16xf32>,
        %add3A_233 = arith.constant 432 : i32
        %add3A_234 = vector.broadcast %add3A_233 : i32 to vector<16xi32>
        %add3A_235 = arith.addi %add3A_231, %add3A_234 : vector<16xi32>
        %sub3A_236 = arith.subf %gather3A_187, %add3A_217 : vector<16xf32>
        %div3A_237 = arith.divf %sub3A_236, %add3A_209 : vector<16xf32>
        tpu.vector_store_idx %arg7[%add3A_235], %div3A_237 : memref<1728xf32, #tpu.memory_space<vmem>>[vector<16xi32>], vector<16xf32>,
        %add3A_238 = arith.constant 864 : i32
        %add3A_239 = vector.broadcast %add3A_238 : i32 to vector<16xi32>
        %add3A_240 = arith.addi %add3A_231, %add3A_239 : vector<16xi32>
        %sub3A_241 = arith.subf %gather3A_189, %gather3A_197 : vector<16xf32>
        tpu.vector_store_idx %arg7[%add3A_240], %sub3A_241 : memref<1728xf32, #tpu.memory_space<vmem>>[vector<16xi32>], vector<16xf32>,
        %add3A_242 = arith.constant 1296 : i32
        %add3A_243 = vector.broadcast %add3A_242 : i32 to vector<16xi32>
        %add3A_244 = arith.addi %add3A_231, %add3A_243 : vector<16xi32>
        %sub3A_245 = arith.subf %gather3A_191, %gather3A_201 : vector<16xf32>
        tpu.vector_store_idx %arg7[%add3A_244], %sub3A_245 : memref<1728xf32, #tpu.memory_space<vmem>>[vector<16xi32>], vector<16xf32>,
        %add3A_246 = arith.addi %broadcast_in_dim3A_14, %scan3A_182#3 : vector<16xi32>
        %gather3A_247 = tpu.vector_load_idx %arg5[%add3A_246] : memref<1376xf32, #tpu.memory_space<vmem>>[vector<16xi32>], vector<16xf32>,
        %add3A_248 = arith.addi %broadcast_in_dim3A_16, %scan3A_182#3 : vector<16xi32>
        %gather3A_249 = tpu.vector_load_idx %arg5[%add3A_248] : memref<1376xf32, #tpu.memory_space<vmem>>[vector<16xi32>], vector<16xf32>,
        %add3A_250 = arith.addi %broadcast_in_dim3A_18, %scan3A_182#3 : vector<16xi32>
        %gather3A_251 = tpu.vector_load_idx %arg5[%add3A_250] : memref<1376xf32, #tpu.memory_space<vmem>>[vector<16xi32>], vector<16xf32>,
        %add3A_252 = arith.addi %broadcast_in_dim3A_20, %scan3A_182#3 : vector<16xi32>
        %gather3A_253 = tpu.vector_load_idx %arg5[%add3A_252] : memref<1376xf32, #tpu.memory_space<vmem>>[vector<16xi32>], vector<16xf32>,
        %add3A_254 = arith.addi %broadcast_in_dim3A_22, %scan3A_182#3 : vector<16xi32>
        %gather3A_255 = tpu.vector_load_idx %arg5[%add3A_254] : memref<1376xf32, #tpu.memory_space<vmem>>[vector<16xi32>], vector<16xf32>,
        %add3A_256 = arith.constant 64 : i32
        %add3A_257 = vector.broadcast %add3A_256 : i32 to vector<16xi32>
        %add3A_258 = arith.addi %add3A_117, %add3A_257 : vector<16xi32>
        %gather3A_259 = tpu.vector_load_idx %arg5[%add3A_258] : memref<1376xf32, #tpu.memory_space<vmem>>[vector<16xi32>], vector<16xf32>,
        %add3A_260 = arith.constant 80 : i32
        %add3A_261 = vector.broadcast %add3A_260 : i32 to vector<16xi32>
        %add3A_262 = arith.addi %add3A_117, %add3A_261 : vector<16xi32>
        %gather3A_263 = tpu.vector_load_idx %arg5[%add3A_262] : memref<1376xf32, #tpu.memory_space<vmem>>[vector<16xi32>], vector<16xf32>,
        %sub3A_264 = arith.subf %add3A_124, %add3A_119 : vector<16xf32>
        %add3A_265 = arith.constant 1.000000e+00 : f32
        %add3A_266 = vector.broadcast %add3A_265 : f32 to vector<16xf32>
        %add3A_267 = arith.addf %sub3A_264, %add3A_266 : vector<16xf32>
        %sub3A_268 = arith.subf %add3A_134, %add3A_129 : vector<16xf32>
        %add3A_269 = arith.constant 1.000000e+00 : f32
        %add3A_270 = vector.broadcast %add3A_269 : f32 to vector<16xf32>
        %add3A_271 = arith.addf %sub3A_268, %add3A_270 : vector<16xf32>
        %mul3A_272 = arith.constant 5.000000e-01 : f32
        %mul3A_273 = vector.broadcast %mul3A_272 : f32 to vector<16xf32>
        %mul3A_274 = arith.mulf %mul3A_273, %add3A_267 : vector<16xf32>
        %add3A_275 = arith.addf %add3A_119, %mul3A_274 : vector<16xf32>
        %mul3A_276 = arith.constant 5.000000e-01 : f32
        %mul3A_277 = vector.broadcast %mul3A_276 : f32 to vector<16xf32>
        %mul3A_278 = arith.mulf %mul3A_277, %add3A_271 : vector<16xf32>
        %add3A_279 = arith.addf %add3A_129, %mul3A_278 : vector<16xf32>
        %lt3A_280 = arith.constant 4.000000e-01 : f32
        %lt3A_281 = vector.broadcast %lt3A_280 : f32 to vector<16xf32>
        %lt3A_282 = arith.cmpf olt, %scan3A_182#2, %lt3A_281 : vector<16xf32>
        %jit3A_283 = arith.constant 0.000000e+00 : f32
        %jit3A_284 = arith.constant -1.000000e+00 : f32
        %broadcast_in_dim3A_285 = vector.broadcast %jit3A_283 : f32 to vector<16xf32>
        %broadcast_in_dim3A_286 = vector.broadcast %jit3A_284 : f32 to vector<16xf32>
        %select_n3A_287 = arith.select %lt3A_282, %broadcast_in_dim3A_285, %broadcast_in_dim3A_286 : vector<16xi1>, vector<16xf32>
        %ge3A_288 = arith.constant 5.000000e-01 : f32
        %ge3A_289 = vector.broadcast %ge3A_288 : f32 to vector<16xf32>
        %ge3A_290 = arith.cmpf oge, %scan3A_182#2, %ge3A_289 : vector<16xf32>
        %select_n3A_291 = arith.select %ge3A_290, %gather3A_255, %select_n3A_287 : vector<16xi1>, vector<16xf32>
        %mul3A_292 = arith.constant 3 : i32
        %mul3A_293 = arith.muli %mul3A_292, %scan3A_82 : i32
        %add3A_294 = arith.constant 1 : i32
        %add3A_295 = arith.addi %mul3A_293, %add3A_294 : i32
        %add3A_296 = vector.broadcast %add3A_295 : i32 to vector<16xi32>
        %add3A_297 = arith.addi %add3A_73, %add3A_296 : vector<16xi32>
        tpu.vector_store_idx %arg6[%add3A_297], %select_n3A_291 : memref<432xf32, #tpu.memory_space<vmem>>[vector<16xi32>], vector<16xf32>,
        %sub3A_298 = arith.subf %gather3A_247, %add3A_275 : vector<16xf32>
        %div3A_299 = arith.divf %sub3A_298, %add3A_267 : vector<16xf32>
        tpu.vector_store_idx %arg7[%add3A_297], %div3A_299 : memref<1728xf32, #tpu.memory_space<vmem>>[vector<16xi32>], vector<16xf32>,
        %add3A_300 = arith.constant 432 : i32
        %add3A_301 = vector.broadcast %add3A_300 : i32 to vector<16xi32>
        %add3A_302 = arith.addi %add3A_297, %add3A_301 : vector<16xi32>
        %sub3A_303 = arith.subf %gather3A_249, %add3A_279 : vector<16xf32>
        %div3A_304 = arith.divf %sub3A_303, %add3A_271 : vector<16xf32>
        tpu.vector_store_idx %arg7[%add3A_302], %div3A_304 : memref<1728xf32, #tpu.memory_space<vmem>>[vector<16xi32>], vector<16xf32>,
        %add3A_305 = arith.constant 864 : i32
        %add3A_306 = vector.broadcast %add3A_305 : i32 to vector<16xi32>
        %add3A_307 = arith.addi %add3A_297, %add3A_306 : vector<16xi32>
        %sub3A_308 = arith.subf %gather3A_251, %gather3A_259 : vector<16xf32>
        tpu.vector_store_idx %arg7[%add3A_307], %sub3A_308 : memref<1728xf32, #tpu.memory_space<vmem>>[vector<16xi32>], vector<16xf32>,
        %add3A_309 = arith.constant 1296 : i32
        %add3A_310 = vector.broadcast %add3A_309 : i32 to vector<16xi32>
        %add3A_311 = arith.addi %add3A_297, %add3A_310 : vector<16xi32>
        %sub3A_312 = arith.subf %gather3A_253, %gather3A_263 : vector<16xf32>
        tpu.vector_store_idx %arg7[%add3A_311], %sub3A_312 : memref<1728xf32, #tpu.memory_space<vmem>>[vector<16xi32>], vector<16xf32>,
        %add3A_313 = arith.addi %broadcast_in_dim3A_14, %scan3A_182#5 : vector<16xi32>
        %gather3A_314 = tpu.vector_load_idx %arg5[%add3A_313] : memref<1376xf32, #tpu.memory_space<vmem>>[vector<16xi32>], vector<16xf32>,
        %add3A_315 = arith.addi %broadcast_in_dim3A_16, %scan3A_182#5 : vector<16xi32>
        %gather3A_316 = tpu.vector_load_idx %arg5[%add3A_315] : memref<1376xf32, #tpu.memory_space<vmem>>[vector<16xi32>], vector<16xf32>,
        %add3A_317 = arith.addi %broadcast_in_dim3A_18, %scan3A_182#5 : vector<16xi32>
        %gather3A_318 = tpu.vector_load_idx %arg5[%add3A_317] : memref<1376xf32, #tpu.memory_space<vmem>>[vector<16xi32>], vector<16xf32>,
        %add3A_319 = arith.addi %broadcast_in_dim3A_20, %scan3A_182#5 : vector<16xi32>
        %gather3A_320 = tpu.vector_load_idx %arg5[%add3A_319] : memref<1376xf32, #tpu.memory_space<vmem>>[vector<16xi32>], vector<16xf32>,
        %add3A_321 = arith.addi %broadcast_in_dim3A_22, %scan3A_182#5 : vector<16xi32>
        %gather3A_322 = tpu.vector_load_idx %arg5[%add3A_321] : memref<1376xf32, #tpu.memory_space<vmem>>[vector<16xi32>], vector<16xf32>,
        %add3A_323 = arith.constant 64 : i32
        %add3A_324 = vector.broadcast %add3A_323 : i32 to vector<16xi32>
        %add3A_325 = arith.addi %add3A_145, %add3A_324 : vector<16xi32>
        %gather3A_326 = tpu.vector_load_idx %arg5[%add3A_325] : memref<1376xf32, #tpu.memory_space<vmem>>[vector<16xi32>], vector<16xf32>,
        %add3A_327 = arith.constant 80 : i32
        %add3A_328 = vector.broadcast %add3A_327 : i32 to vector<16xi32>
        %add3A_329 = arith.addi %add3A_145, %add3A_328 : vector<16xi32>
        %gather3A_330 = tpu.vector_load_idx %arg5[%add3A_329] : memref<1376xf32, #tpu.memory_space<vmem>>[vector<16xi32>], vector<16xf32>,
        %sub3A_331 = arith.subf %add3A_152, %add3A_147 : vector<16xf32>
        %add3A_332 = arith.constant 1.000000e+00 : f32
        %add3A_333 = vector.broadcast %add3A_332 : f32 to vector<16xf32>
        %add3A_334 = arith.addf %sub3A_331, %add3A_333 : vector<16xf32>
        %sub3A_335 = arith.subf %add3A_162, %add3A_157 : vector<16xf32>
        %add3A_336 = arith.constant 1.000000e+00 : f32
        %add3A_337 = vector.broadcast %add3A_336 : f32 to vector<16xf32>
        %add3A_338 = arith.addf %sub3A_335, %add3A_337 : vector<16xf32>
        %mul3A_339 = arith.constant 5.000000e-01 : f32
        %mul3A_340 = vector.broadcast %mul3A_339 : f32 to vector<16xf32>
        %mul3A_341 = arith.mulf %mul3A_340, %add3A_334 : vector<16xf32>
        %add3A_342 = arith.addf %add3A_147, %mul3A_341 : vector<16xf32>
        %mul3A_343 = arith.constant 5.000000e-01 : f32
        %mul3A_344 = vector.broadcast %mul3A_343 : f32 to vector<16xf32>
        %mul3A_345 = arith.mulf %mul3A_344, %add3A_338 : vector<16xf32>
        %add3A_346 = arith.addf %add3A_157, %mul3A_345 : vector<16xf32>
        %lt3A_347 = arith.constant 4.000000e-01 : f32
        %lt3A_348 = vector.broadcast %lt3A_347 : f32 to vector<16xf32>
        %lt3A_349 = arith.cmpf olt, %scan3A_182#4, %lt3A_348 : vector<16xf32>
        %jit3A_350 = arith.constant 0.000000e+00 : f32
        %jit3A_351 = arith.constant -1.000000e+00 : f32
        %broadcast_in_dim3A_352 = vector.broadcast %jit3A_350 : f32 to vector<16xf32>
        %broadcast_in_dim3A_353 = vector.broadcast %jit3A_351 : f32 to vector<16xf32>
        %select_n3A_354 = arith.select %lt3A_349, %broadcast_in_dim3A_352, %broadcast_in_dim3A_353 : vector<16xi1>, vector<16xf32>
        %ge3A_355 = arith.constant 5.000000e-01 : f32
        %ge3A_356 = vector.broadcast %ge3A_355 : f32 to vector<16xf32>
        %ge3A_357 = arith.cmpf oge, %scan3A_182#4, %ge3A_356 : vector<16xf32>
        %select_n3A_358 = arith.select %ge3A_357, %gather3A_322, %select_n3A_354 : vector<16xi1>, vector<16xf32>
        %mul3A_359 = arith.constant 3 : i32
        %mul3A_360 = arith.muli %mul3A_359, %scan3A_82 : i32
        %add3A_361 = arith.constant 2 : i32
        %add3A_362 = arith.addi %mul3A_360, %add3A_361 : i32
        %add3A_363 = vector.broadcast %add3A_362 : i32 to vector<16xi32>
        %add3A_364 = arith.addi %add3A_73, %add3A_363 : vector<16xi32>
        tpu.vector_store_idx %arg6[%add3A_364], %select_n3A_358 : memref<432xf32, #tpu.memory_space<vmem>>[vector<16xi32>], vector<16xf32>,
        %sub3A_365 = arith.subf %gather3A_314, %add3A_342 : vector<16xf32>
        %div3A_366 = arith.divf %sub3A_365, %add3A_334 : vector<16xf32>
        tpu.vector_store_idx %arg7[%add3A_364], %div3A_366 : memref<1728xf32, #tpu.memory_space<vmem>>[vector<16xi32>], vector<16xf32>,
        %add3A_367 = arith.constant 432 : i32
        %add3A_368 = vector.broadcast %add3A_367 : i32 to vector<16xi32>
        %add3A_369 = arith.addi %add3A_364, %add3A_368 : vector<16xi32>
        %sub3A_370 = arith.subf %gather3A_316, %add3A_346 : vector<16xf32>
        %div3A_371 = arith.divf %sub3A_370, %add3A_338 : vector<16xf32>
        tpu.vector_store_idx %arg7[%add3A_369], %div3A_371 : memref<1728xf32, #tpu.memory_space<vmem>>[vector<16xi32>], vector<16xf32>,
        %add3A_372 = arith.constant 864 : i32
        %add3A_373 = vector.broadcast %add3A_372 : i32 to vector<16xi32>
        %add3A_374 = arith.addi %add3A_364, %add3A_373 : vector<16xi32>
        %sub3A_375 = arith.subf %gather3A_318, %gather3A_326 : vector<16xf32>
        tpu.vector_store_idx %arg7[%add3A_374], %sub3A_375 : memref<1728xf32, #tpu.memory_space<vmem>>[vector<16xi32>], vector<16xf32>,
        %add3A_376 = arith.constant 1296 : i32
        %add3A_377 = vector.broadcast %add3A_376 : i32 to vector<16xi32>
        %add3A_378 = arith.addi %add3A_364, %add3A_377 : vector<16xi32>
        %sub3A_379 = arith.subf %gather3A_320, %gather3A_330 : vector<16xf32>
        tpu.vector_store_idx %arg7[%add3A_378], %sub3A_379 : memref<1728xf32, #tpu.memory_space<vmem>>[vector<16xi32>], vector<16xf32>,
        %scan3A_380 = arith.constant 0 : i32
        scf.yield %scan3A_380 : i32
      }
      %scan3A_80 = arith.constant 3 : i32
      %scan3A_81 = arith.constant 0 : i32
      scf.yield %scan3A_81 : i32
    }
    %scan3A_28 = arith.constant 3 : i32
    %mul3A_29 = arith.constant 432 : i32
    %mul3A_30 = arith.muli %add3A, %mul3A_29 : i32
    %run_scoped3A = arith.constant 0 : i32
    "tpu.region"() ({
      %run_scoped3A_47 = tpu.sem_alloc : memref<!tpu.dma_semaphore, #tpu.memory_space<semaphore_mem>>
      %dma_start3A = tpu.memref_slice %arg3[%run_scoped3A, %mul3A_30] : memref<1x36864xf32, #tpu.memory_space<hbm>> -> memref<1x432xf32, #tpu.memory_space<hbm>>
      %dma_start3A_48 = tpu.memref_squeeze %dma_start3A : memref<1x432xf32, #tpu.memory_space<hbm>> -> memref<432xf32, #tpu.memory_space<hbm>>
      %dma_start3A_49 = tpu.memref_slice %arg3[%run_scoped3A, %mul3A_30] : memref<1x36864xf32, #tpu.memory_space<hbm>> -> memref<1x432xf32, #tpu.memory_space<hbm>>
      %dma_start3A_50 = tpu.memref_squeeze %dma_start3A_49 : memref<1x432xf32, #tpu.memory_space<hbm>> -> memref<432xf32, #tpu.memory_space<hbm>>
      tpu.enqueue_dma source(%arg6 : memref<432xf32, #tpu.memory_space<vmem>>) target(%dma_start3A_50 : memref<432xf32, #tpu.memory_space<hbm>>) target_semaphore(%run_scoped3A_47 : memref<!tpu.dma_semaphore, #tpu.memory_space<semaphore_mem>>)
      %dma_wait3A = tpu.memref_slice %arg3[%run_scoped3A, %mul3A_30] : memref<1x36864xf32, #tpu.memory_space<hbm>> -> memref<1x432xf32, #tpu.memory_space<hbm>>
      %dma_wait3A_51 = tpu.memref_squeeze %dma_wait3A : memref<1x432xf32, #tpu.memory_space<hbm>> -> memref<432xf32, #tpu.memory_space<hbm>>
      %dma_wait3A_52 = tpu.memref_slice %arg3[%run_scoped3A, %mul3A_30] : memref<1x36864xf32, #tpu.memory_space<hbm>> -> memref<1x432xf32, #tpu.memory_space<hbm>>
      %dma_wait3A_53 = tpu.memref_squeeze %dma_wait3A_52 : memref<1x432xf32, #tpu.memory_space<hbm>> -> memref<432xf32, #tpu.memory_space<hbm>>
      tpu.wait_dma2 semaphore(%run_scoped3A_47 : memref<!tpu.dma_semaphore, #tpu.memory_space<semaphore_mem>>) src(%arg6 : memref<432xf32, #tpu.memory_space<vmem>>) dst(%dma_wait3A_53 : memref<432xf32, #tpu.memory_space<hbm>>)
      tpu.yield
    }) : () -> ()
    %mul3A_31 = arith.constant 432 : i32
    %mul3A_32 = arith.muli %add3A, %mul3A_31 : i32
    %run_scoped3A_33 = arith.constant 0 : i32
    %run_scoped3A_34 = arith.constant 0 : i32
    "tpu.region"() ({
      %run_scoped3A_47 = tpu.sem_alloc : memref<!tpu.dma_semaphore, #tpu.memory_space<semaphore_mem>>
      %dma_start3A = arith.constant 0 : i32
      %dma_start3A_48 = tpu.memref_slice %arg7[%dma_start3A] : memref<1728xf32, #tpu.memory_space<vmem>> -> memref<432xf32, #tpu.memory_space<vmem>>
      %dma_start3A_49 = tpu.memref_slice %arg4[%run_scoped3A_33, %run_scoped3A_34, %mul3A_32] : memref<1x4x36864xf32, #tpu.memory_space<hbm>> -> memref<1x1x432xf32, #tpu.memory_space<hbm>>
      %dma_start3A_50 = tpu.memref_squeeze %dma_start3A_49 : memref<1x1x432xf32, #tpu.memory_space<hbm>> -> memref<432xf32, #tpu.memory_space<hbm>>
      %dma_start3A_51 = tpu.memref_slice %arg4[%run_scoped3A_33, %run_scoped3A_34, %mul3A_32] : memref<1x4x36864xf32, #tpu.memory_space<hbm>> -> memref<1x1x432xf32, #tpu.memory_space<hbm>>
      %dma_start3A_52 = tpu.memref_squeeze %dma_start3A_51 : memref<1x1x432xf32, #tpu.memory_space<hbm>> -> memref<432xf32, #tpu.memory_space<hbm>>
      %dma_start3A_53 = arith.constant 0 : i32
      %dma_start3A_54 = tpu.memref_slice %arg7[%dma_start3A_53] : memref<1728xf32, #tpu.memory_space<vmem>> -> memref<432xf32, #tpu.memory_space<vmem>>
      tpu.enqueue_dma source(%dma_start3A_54 : memref<432xf32, #tpu.memory_space<vmem>>) target(%dma_start3A_52 : memref<432xf32, #tpu.memory_space<hbm>>) target_semaphore(%run_scoped3A_47 : memref<!tpu.dma_semaphore, #tpu.memory_space<semaphore_mem>>)
      %dma_wait3A = arith.constant 0 : i32
      %dma_wait3A_55 = tpu.memref_slice %arg7[%dma_wait3A] : memref<1728xf32, #tpu.memory_space<vmem>> -> memref<432xf32, #tpu.memory_space<vmem>>
      %dma_wait3A_56 = tpu.memref_slice %arg4[%run_scoped3A_33, %run_scoped3A_34, %mul3A_32] : memref<1x4x36864xf32, #tpu.memory_space<hbm>> -> memref<1x1x432xf32, #tpu.memory_space<hbm>>
      %dma_wait3A_57 = tpu.memref_squeeze %dma_wait3A_56 : memref<1x1x432xf32, #tpu.memory_space<hbm>> -> memref<432xf32, #tpu.memory_space<hbm>>
      %dma_wait3A_58 = tpu.memref_slice %arg4[%run_scoped3A_33, %run_scoped3A_34, %mul3A_32] : memref<1x4x36864xf32, #tpu.memory_space<hbm>> -> memref<1x1x432xf32, #tpu.memory_space<hbm>>
      %dma_wait3A_59 = tpu.memref_squeeze %dma_wait3A_58 : memref<1x1x432xf32, #tpu.memory_space<hbm>> -> memref<432xf32, #tpu.memory_space<hbm>>
      %dma_wait3A_60 = arith.constant 0 : i32
      %dma_wait3A_61 = tpu.memref_slice %arg7[%dma_wait3A_60] : memref<1728xf32, #tpu.memory_space<vmem>> -> memref<432xf32, #tpu.memory_space<vmem>>
      tpu.wait_dma2 semaphore(%run_scoped3A_47 : memref<!tpu.dma_semaphore, #tpu.memory_space<semaphore_mem>>) src(%dma_wait3A_61 : memref<432xf32, #tpu.memory_space<vmem>>) dst(%dma_wait3A_59 : memref<432xf32, #tpu.memory_space<hbm>>)
      tpu.yield
    }) : () -> ()
    %mul3A_35 = arith.constant 432 : i32
    %mul3A_36 = arith.muli %add3A, %mul3A_35 : i32
    %run_scoped3A_37 = arith.constant 0 : i32
    %run_scoped3A_38 = arith.constant 1 : i32
    "tpu.region"() ({
      %run_scoped3A_47 = tpu.sem_alloc : memref<!tpu.dma_semaphore, #tpu.memory_space<semaphore_mem>>
      %dma_start3A = arith.constant 432 : i32
      %dma_start3A_48 = tpu.memref_slice %arg7[%dma_start3A] : memref<1728xf32, #tpu.memory_space<vmem>> -> memref<432xf32, #tpu.memory_space<vmem>>
      %dma_start3A_49 = tpu.memref_slice %arg4[%run_scoped3A_37, %run_scoped3A_38, %mul3A_36] : memref<1x4x36864xf32, #tpu.memory_space<hbm>> -> memref<1x1x432xf32, #tpu.memory_space<hbm>>
      %dma_start3A_50 = tpu.memref_squeeze %dma_start3A_49 : memref<1x1x432xf32, #tpu.memory_space<hbm>> -> memref<432xf32, #tpu.memory_space<hbm>>
      %dma_start3A_51 = tpu.memref_slice %arg4[%run_scoped3A_37, %run_scoped3A_38, %mul3A_36] : memref<1x4x36864xf32, #tpu.memory_space<hbm>> -> memref<1x1x432xf32, #tpu.memory_space<hbm>>
      %dma_start3A_52 = tpu.memref_squeeze %dma_start3A_51 : memref<1x1x432xf32, #tpu.memory_space<hbm>> -> memref<432xf32, #tpu.memory_space<hbm>>
      %dma_start3A_53 = arith.constant 432 : i32
      %dma_start3A_54 = tpu.memref_slice %arg7[%dma_start3A_53] : memref<1728xf32, #tpu.memory_space<vmem>> -> memref<432xf32, #tpu.memory_space<vmem>>
      tpu.enqueue_dma source(%dma_start3A_54 : memref<432xf32, #tpu.memory_space<vmem>>) target(%dma_start3A_52 : memref<432xf32, #tpu.memory_space<hbm>>) target_semaphore(%run_scoped3A_47 : memref<!tpu.dma_semaphore, #tpu.memory_space<semaphore_mem>>)
      %dma_wait3A = arith.constant 432 : i32
      %dma_wait3A_55 = tpu.memref_slice %arg7[%dma_wait3A] : memref<1728xf32, #tpu.memory_space<vmem>> -> memref<432xf32, #tpu.memory_space<vmem>>
      %dma_wait3A_56 = tpu.memref_slice %arg4[%run_scoped3A_37, %run_scoped3A_38, %mul3A_36] : memref<1x4x36864xf32, #tpu.memory_space<hbm>> -> memref<1x1x432xf32, #tpu.memory_space<hbm>>
      %dma_wait3A_57 = tpu.memref_squeeze %dma_wait3A_56 : memref<1x1x432xf32, #tpu.memory_space<hbm>> -> memref<432xf32, #tpu.memory_space<hbm>>
      %dma_wait3A_58 = tpu.memref_slice %arg4[%run_scoped3A_37, %run_scoped3A_38, %mul3A_36] : memref<1x4x36864xf32, #tpu.memory_space<hbm>> -> memref<1x1x432xf32, #tpu.memory_space<hbm>>
      %dma_wait3A_59 = tpu.memref_squeeze %dma_wait3A_58 : memref<1x1x432xf32, #tpu.memory_space<hbm>> -> memref<432xf32, #tpu.memory_space<hbm>>
      %dma_wait3A_60 = arith.constant 432 : i32
      %dma_wait3A_61 = tpu.memref_slice %arg7[%dma_wait3A_60] : memref<1728xf32, #tpu.memory_space<vmem>> -> memref<432xf32, #tpu.memory_space<vmem>>
      tpu.wait_dma2 semaphore(%run_scoped3A_47 : memref<!tpu.dma_semaphore, #tpu.memory_space<semaphore_mem>>) src(%dma_wait3A_61 : memref<432xf32, #tpu.memory_space<vmem>>) dst(%dma_wait3A_59 : memref<432xf32, #tpu.memory_space<hbm>>)
      tpu.yield
    }) : () -> ()
    %mul3A_39 = arith.constant 432 : i32
    %mul3A_40 = arith.muli %add3A, %mul3A_39 : i32
    %run_scoped3A_41 = arith.constant 0 : i32
    %run_scoped3A_42 = arith.constant 2 : i32
    "tpu.region"() ({
      %run_scoped3A_47 = tpu.sem_alloc : memref<!tpu.dma_semaphore, #tpu.memory_space<semaphore_mem>>
      %dma_start3A = arith.constant 864 : i32
      %dma_start3A_48 = tpu.memref_slice %arg7[%dma_start3A] : memref<1728xf32, #tpu.memory_space<vmem>> -> memref<432xf32, #tpu.memory_space<vmem>>
      %dma_start3A_49 = tpu.memref_slice %arg4[%run_scoped3A_41, %run_scoped3A_42, %mul3A_40] : memref<1x4x36864xf32, #tpu.memory_space<hbm>> -> memref<1x1x432xf32, #tpu.memory_space<hbm>>
      %dma_start3A_50 = tpu.memref_squeeze %dma_start3A_49 : memref<1x1x432xf32, #tpu.memory_space<hbm>> -> memref<432xf32, #tpu.memory_space<hbm>>
      %dma_start3A_51 = tpu.memref_slice %arg4[%run_scoped3A_41, %run_scoped3A_42, %mul3A_40] : memref<1x4x36864xf32, #tpu.memory_space<hbm>> -> memref<1x1x432xf32, #tpu.memory_space<hbm>>
      %dma_start3A_52 = tpu.memref_squeeze %dma_start3A_51 : memref<1x1x432xf32, #tpu.memory_space<hbm>> -> memref<432xf32, #tpu.memory_space<hbm>>
      %dma_start3A_53 = arith.constant 864 : i32
      %dma_start3A_54 = tpu.memref_slice %arg7[%dma_start3A_53] : memref<1728xf32, #tpu.memory_space<vmem>> -> memref<432xf32, #tpu.memory_space<vmem>>
      tpu.enqueue_dma source(%dma_start3A_54 : memref<432xf32, #tpu.memory_space<vmem>>) target(%dma_start3A_52 : memref<432xf32, #tpu.memory_space<hbm>>) target_semaphore(%run_scoped3A_47 : memref<!tpu.dma_semaphore, #tpu.memory_space<semaphore_mem>>)
      %dma_wait3A = arith.constant 864 : i32
      %dma_wait3A_55 = tpu.memref_slice %arg7[%dma_wait3A] : memref<1728xf32, #tpu.memory_space<vmem>> -> memref<432xf32, #tpu.memory_space<vmem>>
      %dma_wait3A_56 = tpu.memref_slice %arg4[%run_scoped3A_41, %run_scoped3A_42, %mul3A_40] : memref<1x4x36864xf32, #tpu.memory_space<hbm>> -> memref<1x1x432xf32, #tpu.memory_space<hbm>>
      %dma_wait3A_57 = tpu.memref_squeeze %dma_wait3A_56 : memref<1x1x432xf32, #tpu.memory_space<hbm>> -> memref<432xf32, #tpu.memory_space<hbm>>
      %dma_wait3A_58 = tpu.memref_slice %arg4[%run_scoped3A_41, %run_scoped3A_42, %mul3A_40] : memref<1x4x36864xf32, #tpu.memory_space<hbm>> -> memref<1x1x432xf32, #tpu.memory_space<hbm>>
      %dma_wait3A_59 = tpu.memref_squeeze %dma_wait3A_58 : memref<1x1x432xf32, #tpu.memory_space<hbm>> -> memref<432xf32, #tpu.memory_space<hbm>>
      %dma_wait3A_60 = arith.constant 864 : i32
      %dma_wait3A_61 = tpu.memref_slice %arg7[%dma_wait3A_60] : memref<1728xf32, #tpu.memory_space<vmem>> -> memref<432xf32, #tpu.memory_space<vmem>>
      tpu.wait_dma2 semaphore(%run_scoped3A_47 : memref<!tpu.dma_semaphore, #tpu.memory_space<semaphore_mem>>) src(%dma_wait3A_61 : memref<432xf32, #tpu.memory_space<vmem>>) dst(%dma_wait3A_59 : memref<432xf32, #tpu.memory_space<hbm>>)
      tpu.yield
    }) : () -> ()
    %mul3A_43 = arith.constant 432 : i32
    %mul3A_44 = arith.muli %add3A, %mul3A_43 : i32
    %run_scoped3A_45 = arith.constant 0 : i32
    %run_scoped3A_46 = arith.constant 3 : i32
    "tpu.region"() ({
      %run_scoped3A_47 = tpu.sem_alloc : memref<!tpu.dma_semaphore, #tpu.memory_space<semaphore_mem>>
      %dma_start3A = arith.constant 1296 : i32
      %dma_start3A_48 = tpu.memref_slice %arg7[%dma_start3A] : memref<1728xf32, #tpu.memory_space<vmem>> -> memref<432xf32, #tpu.memory_space<vmem>>
      %dma_start3A_49 = tpu.memref_slice %arg4[%run_scoped3A_45, %run_scoped3A_46, %mul3A_44] : memref<1x4x36864xf32, #tpu.memory_space<hbm>> -> memref<1x1x432xf32, #tpu.memory_space<hbm>>
      %dma_start3A_50 = tpu.memref_squeeze %dma_start3A_49 : memref<1x1x432xf32, #tpu.memory_space<hbm>> -> memref<432xf32, #tpu.memory_space<hbm>>
      %dma_start3A_51 = tpu.memref_slice %arg4[%run_scoped3A_45, %run_scoped3A_46, %mul3A_44] : memref<1x4x36864xf32, #tpu.memory_space<hbm>> -> memref<1x1x432xf32, #tpu.memory_space<hbm>>
      %dma_start3A_52 = tpu.memref_squeeze %dma_start3A_51 : memref<1x1x432xf32, #tpu.memory_space<hbm>> -> memref<432xf32, #tpu.memory_space<hbm>>
      %dma_start3A_53 = arith.constant 1296 : i32
      %dma_start3A_54 = tpu.memref_slice %arg7[%dma_start3A_53] : memref<1728xf32, #tpu.memory_space<vmem>> -> memref<432xf32, #tpu.memory_space<vmem>>
      tpu.enqueue_dma source(%dma_start3A_54 : memref<432xf32, #tpu.memory_space<vmem>>) target(%dma_start3A_52 : memref<432xf32, #tpu.memory_space<hbm>>) target_semaphore(%run_scoped3A_47 : memref<!tpu.dma_semaphore, #tpu.memory_space<semaphore_mem>>)
      %dma_wait3A = arith.constant 1296 : i32
      %dma_wait3A_55 = tpu.memref_slice %arg7[%dma_wait3A] : memref<1728xf32, #tpu.memory_space<vmem>> -> memref<432xf32, #tpu.memory_space<vmem>>
      %dma_wait3A_56 = tpu.memref_slice %arg4[%run_scoped3A_45, %run_scoped3A_46, %mul3A_44] : memref<1x4x36864xf32, #tpu.memory_space<hbm>> -> memref<1x1x432xf32, #tpu.memory_space<hbm>>
      %dma_wait3A_57 = tpu.memref_squeeze %dma_wait3A_56 : memref<1x1x432xf32, #tpu.memory_space<hbm>> -> memref<432xf32, #tpu.memory_space<hbm>>
      %dma_wait3A_58 = tpu.memref_slice %arg4[%run_scoped3A_45, %run_scoped3A_46, %mul3A_44] : memref<1x4x36864xf32, #tpu.memory_space<hbm>> -> memref<1x1x432xf32, #tpu.memory_space<hbm>>
      %dma_wait3A_59 = tpu.memref_squeeze %dma_wait3A_58 : memref<1x1x432xf32, #tpu.memory_space<hbm>> -> memref<432xf32, #tpu.memory_space<hbm>>
      %dma_wait3A_60 = arith.constant 1296 : i32
      %dma_wait3A_61 = tpu.memref_slice %arg7[%dma_wait3A_60] : memref<1728xf32, #tpu.memory_space<vmem>> -> memref<432xf32, #tpu.memory_space<vmem>>
      tpu.wait_dma2 semaphore(%run_scoped3A_47 : memref<!tpu.dma_semaphore, #tpu.memory_space<semaphore_mem>>) src(%dma_wait3A_61 : memref<432xf32, #tpu.memory_space<vmem>>) dst(%dma_wait3A_59 : memref<432xf32, #tpu.memory_space<hbm>>)
      tpu.yield
    }) : () -> ()
    return
  }
}

module attributes {stable_mosaic.version = 14 : i64} {
  func.func @_anchor_target_tc(%arg0: i32, %arg1: memref<11x32x128xf32, #tpu.memory_space<vmem>>, %arg2: memref<10x128xf32, #tpu.memory_space<smem>>, %arg3: memref<32x128xf32, #tpu.memory_space<vmem>>, %arg4: memref<4x32x128xf32, #tpu.memory_space<vmem>>) attributes {dimension_semantics = [#tpu.dimension_semantics<arbitrary>], iteration_bounds = array<i64: 6>, scalar_prefetch = 0 : i64, scratch_operands = 0 : i64, tpu.core_type = #tpu.core_type<tc>, window_params = [{transform_indices = @transform_0, window_bounds = array<i64: 11, 32, 128>}, {transform_indices = @transform_1, window_bounds = array<i64: 10, 128>}, {transform_indices = @transform_2, window_bounds = array<i64: 32, 128>}, {transform_indices = @transform_3, window_bounds = array<i64: 4, 32, 128>}]} {
    %get3A = arith.constant 0 : index
    %get3A_0 = arith.constant 0 : index
    %get3A_1 = arith.constant 0 : index
    %get3A_2 = vector.load %arg1[%get3A, %get3A_0, %get3A_1] : memref<11x32x128xf32, #tpu.memory_space<vmem>>, vector<1x32x128xf32>
    %get3A_3 = vector.shape_cast %get3A_2 : vector<1x32x128xf32> to vector<32x128xf32>
    %get3A_4 = arith.constant 1 : index
    %get3A_5 = arith.constant 0 : index
    %get3A_6 = arith.constant 0 : index
    %get3A_7 = vector.load %arg1[%get3A_4, %get3A_5, %get3A_6] : memref<11x32x128xf32, #tpu.memory_space<vmem>>, vector<1x32x128xf32>
    %get3A_8 = vector.shape_cast %get3A_7 : vector<1x32x128xf32> to vector<32x128xf32>
    %get3A_9 = arith.constant 2 : index
    %get3A_10 = arith.constant 0 : index
    %get3A_11 = arith.constant 0 : index
    %get3A_12 = vector.load %arg1[%get3A_9, %get3A_10, %get3A_11] : memref<11x32x128xf32, #tpu.memory_space<vmem>>, vector<1x32x128xf32>
    %get3A_13 = vector.shape_cast %get3A_12 : vector<1x32x128xf32> to vector<32x128xf32>
    %get3A_14 = arith.constant 3 : index
    %get3A_15 = arith.constant 0 : index
    %get3A_16 = arith.constant 0 : index
    %get3A_17 = vector.load %arg1[%get3A_14, %get3A_15, %get3A_16] : memref<11x32x128xf32, #tpu.memory_space<vmem>>, vector<1x32x128xf32>
    %get3A_18 = vector.shape_cast %get3A_17 : vector<1x32x128xf32> to vector<32x128xf32>
    %get3A_19 = arith.constant 4 : index
    %get3A_20 = arith.constant 0 : index
    %get3A_21 = arith.constant 0 : index
    %get3A_22 = vector.load %arg1[%get3A_19, %get3A_20, %get3A_21] : memref<11x32x128xf32, #tpu.memory_space<vmem>>, vector<1x32x128xf32>
    %get3A_23 = vector.shape_cast %get3A_22 : vector<1x32x128xf32> to vector<32x128xf32>
    %broadcast_in_dim3A = arith.constant 0.000000e+00 : f32
    %broadcast_in_dim3A_24 = vector.broadcast %broadcast_in_dim3A : f32 to vector<32x128xf32>
    %broadcast_in_dim3A_25 = arith.constant -1.000000e+00 : f32
    %broadcast_in_dim3A_26 = vector.broadcast %broadcast_in_dim3A_25 : f32 to vector<32x128xf32>
    %scan3A = arith.constant 0 : i32
    %scan3A_27 = arith.constant 25 : i32
    %scan3A_28 = arith.addi %scan3A, %scan3A_27 : i32
    %scan3A_29 = arith.constant 1 : i32
    %scan3A_30:6 = scf.for %scan3A_100 = %scan3A to %scan3A_28 step %scan3A_29 iter_args(%scan3A_101 = %broadcast_in_dim3A_26, %scan3A_102 = %broadcast_in_dim3A_24, %scan3A_103 = %broadcast_in_dim3A_24, %scan3A_104 = %broadcast_in_dim3A_24, %scan3A_105 = %broadcast_in_dim3A_24, %scan3A_106 = %broadcast_in_dim3A_24) -> (vector<32x128xf32>, vector<32x128xf32>, vector<32x128xf32>, vector<32x128xf32>, vector<32x128xf32>, vector<32x128xf32>)  : i32 {
      %mul3A = arith.constant 4 : i32
      %mul3A_107 = arith.muli %mul3A, %scan3A_100 : i32
      %add3A = arith.constant 0 : i32
      %add3A_108 = arith.addi %mul3A_107, %add3A : i32
      %get3A_109 = arith.constant 0 : index
      %get3A_110 = arith.index_cast %add3A_108 : i32 to index
      %get3A_111 = memref.load %arg2[%get3A_109, %get3A_110] : memref<10x128xf32, #tpu.memory_space<smem>>
      %get3A_112 = arith.constant 1 : index
      %get3A_113 = arith.index_cast %add3A_108 : i32 to index
      %get3A_114 = memref.load %arg2[%get3A_112, %get3A_113] : memref<10x128xf32, #tpu.memory_space<smem>>
      %get3A_115 = arith.constant 2 : index
      %get3A_116 = arith.index_cast %add3A_108 : i32 to index
      %get3A_117 = memref.load %arg2[%get3A_115, %get3A_116] : memref<10x128xf32, #tpu.memory_space<smem>>
      %get3A_118 = arith.constant 3 : index
      %get3A_119 = arith.index_cast %add3A_108 : i32 to index
      %get3A_120 = memref.load %arg2[%get3A_118, %get3A_119] : memref<10x128xf32, #tpu.memory_space<smem>>
      %get3A_121 = arith.constant 4 : index
      %get3A_122 = arith.index_cast %add3A_108 : i32 to index
      %get3A_123 = memref.load %arg2[%get3A_121, %get3A_122] : memref<10x128xf32, #tpu.memory_space<smem>>
      %get3A_124 = arith.constant 5 : index
      %get3A_125 = arith.index_cast %add3A_108 : i32 to index
      %get3A_126 = memref.load %arg2[%get3A_124, %get3A_125] : memref<10x128xf32, #tpu.memory_space<smem>>
      %get3A_127 = arith.constant 6 : index
      %get3A_128 = arith.index_cast %add3A_108 : i32 to index
      %get3A_129 = memref.load %arg2[%get3A_127, %get3A_128] : memref<10x128xf32, #tpu.memory_space<smem>>
      %get3A_130 = arith.constant 7 : index
      %get3A_131 = arith.index_cast %add3A_108 : i32 to index
      %get3A_132 = memref.load %arg2[%get3A_130, %get3A_131] : memref<10x128xf32, #tpu.memory_space<smem>>
      %get3A_133 = arith.constant 8 : index
      %get3A_134 = arith.index_cast %add3A_108 : i32 to index
      %get3A_135 = memref.load %arg2[%get3A_133, %get3A_134] : memref<10x128xf32, #tpu.memory_space<smem>>
      %get3A_136 = arith.constant 9 : index
      %get3A_137 = arith.index_cast %add3A_108 : i32 to index
      %get3A_138 = memref.load %arg2[%get3A_136, %get3A_137] : memref<10x128xf32, #tpu.memory_space<smem>>
      %min3A = vector.broadcast %get3A_117 : f32 to vector<32x128xf32>
      %min3A_139 = arith.minimumf %get3A_13, %min3A : vector<32x128xf32>
      %max3A = vector.broadcast %get3A_111 : f32 to vector<32x128xf32>
      %max3A_140 = arith.maximumf %get3A_3, %max3A : vector<32x128xf32>
      %sub3A_141 = arith.subf %min3A_139, %max3A_140 : vector<32x128xf32>
      %max3A_142 = arith.constant 0.000000e+00 : f32
      %max3A_143 = vector.broadcast %max3A_142 : f32 to vector<32x128xf32>
      %max3A_144 = arith.maximumf %sub3A_141, %max3A_143 : vector<32x128xf32>
      %min3A_145 = vector.broadcast %get3A_120 : f32 to vector<32x128xf32>
      %min3A_146 = arith.minimumf %get3A_18, %min3A_145 : vector<32x128xf32>
      %max3A_147 = vector.broadcast %get3A_114 : f32 to vector<32x128xf32>
      %max3A_148 = arith.maximumf %get3A_8, %max3A_147 : vector<32x128xf32>
      %sub3A_149 = arith.subf %min3A_146, %max3A_148 : vector<32x128xf32>
      %max3A_150 = arith.constant 0.000000e+00 : f32
      %max3A_151 = vector.broadcast %max3A_150 : f32 to vector<32x128xf32>
      %max3A_152 = arith.maximumf %sub3A_149, %max3A_151 : vector<32x128xf32>
      %mul3A_153 = arith.mulf %max3A_144, %max3A_152 : vector<32x128xf32>
      %add3A_154 = vector.broadcast %get3A_123 : f32 to vector<32x128xf32>
      %add3A_155 = arith.addf %get3A_23, %add3A_154 : vector<32x128xf32>
      %sub3A_156 = arith.subf %add3A_155, %mul3A_153 : vector<32x128xf32>
      %div3A_157 = arith.divf %mul3A_153, %sub3A_156 : vector<32x128xf32>
      %gt3A = arith.cmpf ogt, %div3A_157, %scan3A_101 : vector<32x128xf32>
      %select_n3A_158 = arith.select %gt3A, %div3A_157, %scan3A_101 : vector<32x128xi1>, vector<32x128xf32>
      %broadcast_in_dim3A_159 = vector.broadcast %get3A_126 : f32 to vector<32x128xf32>
      %select_n3A_160 = arith.select %gt3A, %broadcast_in_dim3A_159, %scan3A_102 : vector<32x128xi1>, vector<32x128xf32>
      %broadcast_in_dim3A_161 = vector.broadcast %get3A_129 : f32 to vector<32x128xf32>
      %select_n3A_162 = arith.select %gt3A, %broadcast_in_dim3A_161, %scan3A_103 : vector<32x128xi1>, vector<32x128xf32>
      %broadcast_in_dim3A_163 = vector.broadcast %get3A_132 : f32 to vector<32x128xf32>
      %select_n3A_164 = arith.select %gt3A, %broadcast_in_dim3A_163, %scan3A_104 : vector<32x128xi1>, vector<32x128xf32>
      %broadcast_in_dim3A_165 = vector.broadcast %get3A_135 : f32 to vector<32x128xf32>
      %select_n3A_166 = arith.select %gt3A, %broadcast_in_dim3A_165, %scan3A_105 : vector<32x128xi1>, vector<32x128xf32>
      %broadcast_in_dim3A_167 = vector.broadcast %get3A_138 : f32 to vector<32x128xf32>
      %select_n3A_168 = arith.select %gt3A, %broadcast_in_dim3A_167, %scan3A_106 : vector<32x128xi1>, vector<32x128xf32>
      %mul3A_169 = arith.constant 4 : i32
      %mul3A_170 = arith.muli %mul3A_169, %scan3A_100 : i32
      %add3A_171 = arith.constant 1 : i32
      %add3A_172 = arith.addi %mul3A_170, %add3A_171 : i32
      %get3A_173 = arith.constant 0 : index
      %get3A_174 = arith.index_cast %add3A_172 : i32 to index
      %get3A_175 = memref.load %arg2[%get3A_173, %get3A_174] : memref<10x128xf32, #tpu.memory_space<smem>>
      %get3A_176 = arith.constant 1 : index
      %get3A_177 = arith.index_cast %add3A_172 : i32 to index
      %get3A_178 = memref.load %arg2[%get3A_176, %get3A_177] : memref<10x128xf32, #tpu.memory_space<smem>>
      %get3A_179 = arith.constant 2 : index
      %get3A_180 = arith.index_cast %add3A_172 : i32 to index
      %get3A_181 = memref.load %arg2[%get3A_179, %get3A_180] : memref<10x128xf32, #tpu.memory_space<smem>>
      %get3A_182 = arith.constant 3 : index
      %get3A_183 = arith.index_cast %add3A_172 : i32 to index
      %get3A_184 = memref.load %arg2[%get3A_182, %get3A_183] : memref<10x128xf32, #tpu.memory_space<smem>>
      %get3A_185 = arith.constant 4 : index
      %get3A_186 = arith.index_cast %add3A_172 : i32 to index
      %get3A_187 = memref.load %arg2[%get3A_185, %get3A_186] : memref<10x128xf32, #tpu.memory_space<smem>>
      %get3A_188 = arith.constant 5 : index
      %get3A_189 = arith.index_cast %add3A_172 : i32 to index
      %get3A_190 = memref.load %arg2[%get3A_188, %get3A_189] : memref<10x128xf32, #tpu.memory_space<smem>>
      %get3A_191 = arith.constant 6 : index
      %get3A_192 = arith.index_cast %add3A_172 : i32 to index
      %get3A_193 = memref.load %arg2[%get3A_191, %get3A_192] : memref<10x128xf32, #tpu.memory_space<smem>>
      %get3A_194 = arith.constant 7 : index
      %get3A_195 = arith.index_cast %add3A_172 : i32 to index
      %get3A_196 = memref.load %arg2[%get3A_194, %get3A_195] : memref<10x128xf32, #tpu.memory_space<smem>>
      %get3A_197 = arith.constant 8 : index
      %get3A_198 = arith.index_cast %add3A_172 : i32 to index
      %get3A_199 = memref.load %arg2[%get3A_197, %get3A_198] : memref<10x128xf32, #tpu.memory_space<smem>>
      %get3A_200 = arith.constant 9 : index
      %get3A_201 = arith.index_cast %add3A_172 : i32 to index
      %get3A_202 = memref.load %arg2[%get3A_200, %get3A_201] : memref<10x128xf32, #tpu.memory_space<smem>>
      %min3A_203 = vector.broadcast %get3A_181 : f32 to vector<32x128xf32>
      %min3A_204 = arith.minimumf %get3A_13, %min3A_203 : vector<32x128xf32>
      %max3A_205 = vector.broadcast %get3A_175 : f32 to vector<32x128xf32>
      %max3A_206 = arith.maximumf %get3A_3, %max3A_205 : vector<32x128xf32>
      %sub3A_207 = arith.subf %min3A_204, %max3A_206 : vector<32x128xf32>
      %max3A_208 = arith.constant 0.000000e+00 : f32
      %max3A_209 = vector.broadcast %max3A_208 : f32 to vector<32x128xf32>
      %max3A_210 = arith.maximumf %sub3A_207, %max3A_209 : vector<32x128xf32>
      %min3A_211 = vector.broadcast %get3A_184 : f32 to vector<32x128xf32>
      %min3A_212 = arith.minimumf %get3A_18, %min3A_211 : vector<32x128xf32>
      %max3A_213 = vector.broadcast %get3A_178 : f32 to vector<32x128xf32>
      %max3A_214 = arith.maximumf %get3A_8, %max3A_213 : vector<32x128xf32>
      %sub3A_215 = arith.subf %min3A_212, %max3A_214 : vector<32x128xf32>
      %max3A_216 = arith.constant 0.000000e+00 : f32
      %max3A_217 = vector.broadcast %max3A_216 : f32 to vector<32x128xf32>
      %max3A_218 = arith.maximumf %sub3A_215, %max3A_217 : vector<32x128xf32>
      %mul3A_219 = arith.mulf %max3A_210, %max3A_218 : vector<32x128xf32>
      %add3A_220 = vector.broadcast %get3A_187 : f32 to vector<32x128xf32>
      %add3A_221 = arith.addf %get3A_23, %add3A_220 : vector<32x128xf32>
      %sub3A_222 = arith.subf %add3A_221, %mul3A_219 : vector<32x128xf32>
      %div3A_223 = arith.divf %mul3A_219, %sub3A_222 : vector<32x128xf32>
      %gt3A_224 = arith.cmpf ogt, %div3A_223, %select_n3A_158 : vector<32x128xf32>
      %select_n3A_225 = arith.select %gt3A_224, %div3A_223, %select_n3A_158 : vector<32x128xi1>, vector<32x128xf32>
      %broadcast_in_dim3A_226 = vector.broadcast %get3A_190 : f32 to vector<32x128xf32>
      %select_n3A_227 = arith.select %gt3A_224, %broadcast_in_dim3A_226, %select_n3A_160 : vector<32x128xi1>, vector<32x128xf32>
      %broadcast_in_dim3A_228 = vector.broadcast %get3A_193 : f32 to vector<32x128xf32>
      %select_n3A_229 = arith.select %gt3A_224, %broadcast_in_dim3A_228, %select_n3A_162 : vector<32x128xi1>, vector<32x128xf32>
      %broadcast_in_dim3A_230 = vector.broadcast %get3A_196 : f32 to vector<32x128xf32>
      %select_n3A_231 = arith.select %gt3A_224, %broadcast_in_dim3A_230, %select_n3A_164 : vector<32x128xi1>, vector<32x128xf32>
      %broadcast_in_dim3A_232 = vector.broadcast %get3A_199 : f32 to vector<32x128xf32>
      %select_n3A_233 = arith.select %gt3A_224, %broadcast_in_dim3A_232, %select_n3A_166 : vector<32x128xi1>, vector<32x128xf32>
      %broadcast_in_dim3A_234 = vector.broadcast %get3A_202 : f32 to vector<32x128xf32>
      %select_n3A_235 = arith.select %gt3A_224, %broadcast_in_dim3A_234, %select_n3A_168 : vector<32x128xi1>, vector<32x128xf32>
      %mul3A_236 = arith.constant 4 : i32
      %mul3A_237 = arith.muli %mul3A_236, %scan3A_100 : i32
      %add3A_238 = arith.constant 2 : i32
      %add3A_239 = arith.addi %mul3A_237, %add3A_238 : i32
      %get3A_240 = arith.constant 0 : index
      %get3A_241 = arith.index_cast %add3A_239 : i32 to index
      %get3A_242 = memref.load %arg2[%get3A_240, %get3A_241] : memref<10x128xf32, #tpu.memory_space<smem>>
      %get3A_243 = arith.constant 1 : index
      %get3A_244 = arith.index_cast %add3A_239 : i32 to index
      %get3A_245 = memref.load %arg2[%get3A_243, %get3A_244] : memref<10x128xf32, #tpu.memory_space<smem>>
      %get3A_246 = arith.constant 2 : index
      %get3A_247 = arith.index_cast %add3A_239 : i32 to index
      %get3A_248 = memref.load %arg2[%get3A_246, %get3A_247] : memref<10x128xf32, #tpu.memory_space<smem>>
      %get3A_249 = arith.constant 3 : index
      %get3A_250 = arith.index_cast %add3A_239 : i32 to index
      %get3A_251 = memref.load %arg2[%get3A_249, %get3A_250] : memref<10x128xf32, #tpu.memory_space<smem>>
      %get3A_252 = arith.constant 4 : index
      %get3A_253 = arith.index_cast %add3A_239 : i32 to index
      %get3A_254 = memref.load %arg2[%get3A_252, %get3A_253] : memref<10x128xf32, #tpu.memory_space<smem>>
      %get3A_255 = arith.constant 5 : index
      %get3A_256 = arith.index_cast %add3A_239 : i32 to index
      %get3A_257 = memref.load %arg2[%get3A_255, %get3A_256] : memref<10x128xf32, #tpu.memory_space<smem>>
      %get3A_258 = arith.constant 6 : index
      %get3A_259 = arith.index_cast %add3A_239 : i32 to index
      %get3A_260 = memref.load %arg2[%get3A_258, %get3A_259] : memref<10x128xf32, #tpu.memory_space<smem>>
      %get3A_261 = arith.constant 7 : index
      %get3A_262 = arith.index_cast %add3A_239 : i32 to index
      %get3A_263 = memref.load %arg2[%get3A_261, %get3A_262] : memref<10x128xf32, #tpu.memory_space<smem>>
      %get3A_264 = arith.constant 8 : index
      %get3A_265 = arith.index_cast %add3A_239 : i32 to index
      %get3A_266 = memref.load %arg2[%get3A_264, %get3A_265] : memref<10x128xf32, #tpu.memory_space<smem>>
      %get3A_267 = arith.constant 9 : index
      %get3A_268 = arith.index_cast %add3A_239 : i32 to index
      %get3A_269 = memref.load %arg2[%get3A_267, %get3A_268] : memref<10x128xf32, #tpu.memory_space<smem>>
      %min3A_270 = vector.broadcast %get3A_248 : f32 to vector<32x128xf32>
      %min3A_271 = arith.minimumf %get3A_13, %min3A_270 : vector<32x128xf32>
      %max3A_272 = vector.broadcast %get3A_242 : f32 to vector<32x128xf32>
      %max3A_273 = arith.maximumf %get3A_3, %max3A_272 : vector<32x128xf32>
      %sub3A_274 = arith.subf %min3A_271, %max3A_273 : vector<32x128xf32>
      %max3A_275 = arith.constant 0.000000e+00 : f32
      %max3A_276 = vector.broadcast %max3A_275 : f32 to vector<32x128xf32>
      %max3A_277 = arith.maximumf %sub3A_274, %max3A_276 : vector<32x128xf32>
      %min3A_278 = vector.broadcast %get3A_251 : f32 to vector<32x128xf32>
      %min3A_279 = arith.minimumf %get3A_18, %min3A_278 : vector<32x128xf32>
      %max3A_280 = vector.broadcast %get3A_245 : f32 to vector<32x128xf32>
      %max3A_281 = arith.maximumf %get3A_8, %max3A_280 : vector<32x128xf32>
      %sub3A_282 = arith.subf %min3A_279, %max3A_281 : vector<32x128xf32>
      %max3A_283 = arith.constant 0.000000e+00 : f32
      %max3A_284 = vector.broadcast %max3A_283 : f32 to vector<32x128xf32>
      %max3A_285 = arith.maximumf %sub3A_282, %max3A_284 : vector<32x128xf32>
      %mul3A_286 = arith.mulf %max3A_277, %max3A_285 : vector<32x128xf32>
      %add3A_287 = vector.broadcast %get3A_254 : f32 to vector<32x128xf32>
      %add3A_288 = arith.addf %get3A_23, %add3A_287 : vector<32x128xf32>
      %sub3A_289 = arith.subf %add3A_288, %mul3A_286 : vector<32x128xf32>
      %div3A_290 = arith.divf %mul3A_286, %sub3A_289 : vector<32x128xf32>
      %gt3A_291 = arith.cmpf ogt, %div3A_290, %select_n3A_225 : vector<32x128xf32>
      %select_n3A_292 = arith.select %gt3A_291, %div3A_290, %select_n3A_225 : vector<32x128xi1>, vector<32x128xf32>
      %broadcast_in_dim3A_293 = vector.broadcast %get3A_257 : f32 to vector<32x128xf32>
      %select_n3A_294 = arith.select %gt3A_291, %broadcast_in_dim3A_293, %select_n3A_227 : vector<32x128xi1>, vector<32x128xf32>
      %broadcast_in_dim3A_295 = vector.broadcast %get3A_260 : f32 to vector<32x128xf32>
      %select_n3A_296 = arith.select %gt3A_291, %broadcast_in_dim3A_295, %select_n3A_229 : vector<32x128xi1>, vector<32x128xf32>
      %broadcast_in_dim3A_297 = vector.broadcast %get3A_263 : f32 to vector<32x128xf32>
      %select_n3A_298 = arith.select %gt3A_291, %broadcast_in_dim3A_297, %select_n3A_231 : vector<32x128xi1>, vector<32x128xf32>
      %broadcast_in_dim3A_299 = vector.broadcast %get3A_266 : f32 to vector<32x128xf32>
      %select_n3A_300 = arith.select %gt3A_291, %broadcast_in_dim3A_299, %select_n3A_233 : vector<32x128xi1>, vector<32x128xf32>
      %broadcast_in_dim3A_301 = vector.broadcast %get3A_269 : f32 to vector<32x128xf32>
      %select_n3A_302 = arith.select %gt3A_291, %broadcast_in_dim3A_301, %select_n3A_235 : vector<32x128xi1>, vector<32x128xf32>
      %mul3A_303 = arith.constant 4 : i32
      %mul3A_304 = arith.muli %mul3A_303, %scan3A_100 : i32
      %add3A_305 = arith.constant 3 : i32
      %add3A_306 = arith.addi %mul3A_304, %add3A_305 : i32
      %get3A_307 = arith.constant 0 : index
      %get3A_308 = arith.index_cast %add3A_306 : i32 to index
      %get3A_309 = memref.load %arg2[%get3A_307, %get3A_308] : memref<10x128xf32, #tpu.memory_space<smem>>
      %get3A_310 = arith.constant 1 : index
      %get3A_311 = arith.index_cast %add3A_306 : i32 to index
      %get3A_312 = memref.load %arg2[%get3A_310, %get3A_311] : memref<10x128xf32, #tpu.memory_space<smem>>
      %get3A_313 = arith.constant 2 : index
      %get3A_314 = arith.index_cast %add3A_306 : i32 to index
      %get3A_315 = memref.load %arg2[%get3A_313, %get3A_314] : memref<10x128xf32, #tpu.memory_space<smem>>
      %get3A_316 = arith.constant 3 : index
      %get3A_317 = arith.index_cast %add3A_306 : i32 to index
      %get3A_318 = memref.load %arg2[%get3A_316, %get3A_317] : memref<10x128xf32, #tpu.memory_space<smem>>
      %get3A_319 = arith.constant 4 : index
      %get3A_320 = arith.index_cast %add3A_306 : i32 to index
      %get3A_321 = memref.load %arg2[%get3A_319, %get3A_320] : memref<10x128xf32, #tpu.memory_space<smem>>
      %get3A_322 = arith.constant 5 : index
      %get3A_323 = arith.index_cast %add3A_306 : i32 to index
      %get3A_324 = memref.load %arg2[%get3A_322, %get3A_323] : memref<10x128xf32, #tpu.memory_space<smem>>
      %get3A_325 = arith.constant 6 : index
      %get3A_326 = arith.index_cast %add3A_306 : i32 to index
      %get3A_327 = memref.load %arg2[%get3A_325, %get3A_326] : memref<10x128xf32, #tpu.memory_space<smem>>
      %get3A_328 = arith.constant 7 : index
      %get3A_329 = arith.index_cast %add3A_306 : i32 to index
      %get3A_330 = memref.load %arg2[%get3A_328, %get3A_329] : memref<10x128xf32, #tpu.memory_space<smem>>
      %get3A_331 = arith.constant 8 : index
      %get3A_332 = arith.index_cast %add3A_306 : i32 to index
      %get3A_333 = memref.load %arg2[%get3A_331, %get3A_332] : memref<10x128xf32, #tpu.memory_space<smem>>
      %get3A_334 = arith.constant 9 : index
      %get3A_335 = arith.index_cast %add3A_306 : i32 to index
      %get3A_336 = memref.load %arg2[%get3A_334, %get3A_335] : memref<10x128xf32, #tpu.memory_space<smem>>
      %min3A_337 = vector.broadcast %get3A_315 : f32 to vector<32x128xf32>
      %min3A_338 = arith.minimumf %get3A_13, %min3A_337 : vector<32x128xf32>
      %max3A_339 = vector.broadcast %get3A_309 : f32 to vector<32x128xf32>
      %max3A_340 = arith.maximumf %get3A_3, %max3A_339 : vector<32x128xf32>
      %sub3A_341 = arith.subf %min3A_338, %max3A_340 : vector<32x128xf32>
      %max3A_342 = arith.constant 0.000000e+00 : f32
      %max3A_343 = vector.broadcast %max3A_342 : f32 to vector<32x128xf32>
      %max3A_344 = arith.maximumf %sub3A_341, %max3A_343 : vector<32x128xf32>
      %min3A_345 = vector.broadcast %get3A_318 : f32 to vector<32x128xf32>
      %min3A_346 = arith.minimumf %get3A_18, %min3A_345 : vector<32x128xf32>
      %max3A_347 = vector.broadcast %get3A_312 : f32 to vector<32x128xf32>
      %max3A_348 = arith.maximumf %get3A_8, %max3A_347 : vector<32x128xf32>
      %sub3A_349 = arith.subf %min3A_346, %max3A_348 : vector<32x128xf32>
      %max3A_350 = arith.constant 0.000000e+00 : f32
      %max3A_351 = vector.broadcast %max3A_350 : f32 to vector<32x128xf32>
      %max3A_352 = arith.maximumf %sub3A_349, %max3A_351 : vector<32x128xf32>
      %mul3A_353 = arith.mulf %max3A_344, %max3A_352 : vector<32x128xf32>
      %add3A_354 = vector.broadcast %get3A_321 : f32 to vector<32x128xf32>
      %add3A_355 = arith.addf %get3A_23, %add3A_354 : vector<32x128xf32>
      %sub3A_356 = arith.subf %add3A_355, %mul3A_353 : vector<32x128xf32>
      %div3A_357 = arith.divf %mul3A_353, %sub3A_356 : vector<32x128xf32>
      %gt3A_358 = arith.cmpf ogt, %div3A_357, %select_n3A_292 : vector<32x128xf32>
      %select_n3A_359 = arith.select %gt3A_358, %div3A_357, %select_n3A_292 : vector<32x128xi1>, vector<32x128xf32>
      %broadcast_in_dim3A_360 = vector.broadcast %get3A_324 : f32 to vector<32x128xf32>
      %select_n3A_361 = arith.select %gt3A_358, %broadcast_in_dim3A_360, %select_n3A_294 : vector<32x128xi1>, vector<32x128xf32>
      %broadcast_in_dim3A_362 = vector.broadcast %get3A_327 : f32 to vector<32x128xf32>
      %select_n3A_363 = arith.select %gt3A_358, %broadcast_in_dim3A_362, %select_n3A_296 : vector<32x128xi1>, vector<32x128xf32>
      %broadcast_in_dim3A_364 = vector.broadcast %get3A_330 : f32 to vector<32x128xf32>
      %select_n3A_365 = arith.select %gt3A_358, %broadcast_in_dim3A_364, %select_n3A_298 : vector<32x128xi1>, vector<32x128xf32>
      %broadcast_in_dim3A_366 = vector.broadcast %get3A_333 : f32 to vector<32x128xf32>
      %select_n3A_367 = arith.select %gt3A_358, %broadcast_in_dim3A_366, %select_n3A_300 : vector<32x128xi1>, vector<32x128xf32>
      %broadcast_in_dim3A_368 = vector.broadcast %get3A_336 : f32 to vector<32x128xf32>
      %select_n3A_369 = arith.select %gt3A_358, %broadcast_in_dim3A_368, %select_n3A_302 : vector<32x128xi1>, vector<32x128xf32>
      scf.yield %select_n3A_359, %select_n3A_361, %select_n3A_363, %select_n3A_365, %select_n3A_367, %select_n3A_369 : vector<32x128xf32>, vector<32x128xf32>, vector<32x128xf32>, vector<32x128xf32>, vector<32x128xf32>, vector<32x128xf32>
    }
    %scan3A_31 = arith.constant 25 : i32
    %lt3A = arith.constant 4.000000e-01 : f32
    %lt3A_32 = vector.broadcast %lt3A : f32 to vector<32x128xf32>
    %lt3A_33 = arith.cmpf olt, %scan3A_30#0, %lt3A_32 : vector<32x128xf32>
    %jit3A = arith.constant 0.000000e+00 : f32
    %jit3A_34 = arith.constant -1.000000e+00 : f32
    %broadcast_in_dim3A_35 = vector.broadcast %jit3A : f32 to vector<32x128xf32>
    %broadcast_in_dim3A_36 = vector.broadcast %jit3A_34 : f32 to vector<32x128xf32>
    %select_n3A = arith.select %lt3A_33, %broadcast_in_dim3A_35, %broadcast_in_dim3A_36 : vector<32x128xi1>, vector<32x128xf32>
    %ge3A = arith.constant 5.000000e-01 : f32
    %ge3A_37 = vector.broadcast %ge3A : f32 to vector<32x128xf32>
    %ge3A_38 = arith.cmpf oge, %scan3A_30#0, %ge3A_37 : vector<32x128xf32>
    %select_n3A_39 = arith.select %ge3A_38, %scan3A_30#5, %select_n3A : vector<32x128xi1>, vector<32x128xf32>
    %swap3A = arith.constant 0 : index
    %swap3A_40 = arith.constant 0 : index
    %swap3A_41 = vector.load %arg3[%swap3A, %swap3A_40] : memref<32x128xf32, #tpu.memory_space<vmem>>, vector<32x128xf32>
    tpu.vector_store %arg3[%swap3A, %swap3A_40], %select_n3A_39 {strides = array<i32>} : memref<32x128xf32, #tpu.memory_space<vmem>>, vector<32x128xf32>,
    %get3A_42 = arith.constant 5 : index
    %get3A_43 = arith.constant 0 : index
    %get3A_44 = arith.constant 0 : index
    %get3A_45 = vector.load %arg1[%get3A_42, %get3A_43, %get3A_44] : memref<11x32x128xf32, #tpu.memory_space<vmem>>, vector<1x32x128xf32>
    %get3A_46 = vector.shape_cast %get3A_45 : vector<1x32x128xf32> to vector<32x128xf32>
    %sub3A = arith.subf %scan3A_30#1, %get3A_46 : vector<32x128xf32>
    %get3A_47 = arith.constant 7 : index
    %get3A_48 = arith.constant 0 : index
    %get3A_49 = arith.constant 0 : index
    %get3A_50 = vector.load %arg1[%get3A_47, %get3A_48, %get3A_49] : memref<11x32x128xf32, #tpu.memory_space<vmem>>, vector<1x32x128xf32>
    %get3A_51 = vector.shape_cast %get3A_50 : vector<1x32x128xf32> to vector<32x128xf32>
    %div3A = arith.divf %sub3A, %get3A_51 : vector<32x128xf32>
    %swap3A_52 = arith.constant 0 : index
    %swap3A_53 = arith.constant 0 : index
    %swap3A_54 = arith.constant 0 : index
    %swap3A_55 = vector.load %arg4[%swap3A_52, %swap3A_53, %swap3A_54] : memref<4x32x128xf32, #tpu.memory_space<vmem>>, vector<1x32x128xf32>
    %swap3A_56 = vector.shape_cast %swap3A_55 : vector<1x32x128xf32> to vector<32x128xf32>
    %swap3A_57 = vector.shape_cast %div3A : vector<32x128xf32> to vector<1x32x128xf32>
    tpu.vector_store %arg4[%swap3A_52, %swap3A_53, %swap3A_54], %swap3A_57 {strides = array<i32>} : memref<4x32x128xf32, #tpu.memory_space<vmem>>, vector<1x32x128xf32>,
    %get3A_58 = arith.constant 6 : index
    %get3A_59 = arith.constant 0 : index
    %get3A_60 = arith.constant 0 : index
    %get3A_61 = vector.load %arg1[%get3A_58, %get3A_59, %get3A_60] : memref<11x32x128xf32, #tpu.memory_space<vmem>>, vector<1x32x128xf32>
    %get3A_62 = vector.shape_cast %get3A_61 : vector<1x32x128xf32> to vector<32x128xf32>
    %sub3A_63 = arith.subf %scan3A_30#2, %get3A_62 : vector<32x128xf32>
    %get3A_64 = arith.constant 8 : index
    %get3A_65 = arith.constant 0 : index
    %get3A_66 = arith.constant 0 : index
    %get3A_67 = vector.load %arg1[%get3A_64, %get3A_65, %get3A_66] : memref<11x32x128xf32, #tpu.memory_space<vmem>>, vector<1x32x128xf32>
    %get3A_68 = vector.shape_cast %get3A_67 : vector<1x32x128xf32> to vector<32x128xf32>
    %div3A_69 = arith.divf %sub3A_63, %get3A_68 : vector<32x128xf32>
    %swap3A_70 = arith.constant 1 : index
    %swap3A_71 = arith.constant 0 : index
    %swap3A_72 = arith.constant 0 : index
    %swap3A_73 = vector.load %arg4[%swap3A_70, %swap3A_71, %swap3A_72] : memref<4x32x128xf32, #tpu.memory_space<vmem>>, vector<1x32x128xf32>
    %swap3A_74 = vector.shape_cast %swap3A_73 : vector<1x32x128xf32> to vector<32x128xf32>
    %swap3A_75 = vector.shape_cast %div3A_69 : vector<32x128xf32> to vector<1x32x128xf32>
    tpu.vector_store %arg4[%swap3A_70, %swap3A_71, %swap3A_72], %swap3A_75 {strides = array<i32>} : memref<4x32x128xf32, #tpu.memory_space<vmem>>, vector<1x32x128xf32>,
    %get3A_76 = arith.constant 9 : index
    %get3A_77 = arith.constant 0 : index
    %get3A_78 = arith.constant 0 : index
    %get3A_79 = vector.load %arg1[%get3A_76, %get3A_77, %get3A_78] : memref<11x32x128xf32, #tpu.memory_space<vmem>>, vector<1x32x128xf32>
    %get3A_80 = vector.shape_cast %get3A_79 : vector<1x32x128xf32> to vector<32x128xf32>
    %sub3A_81 = arith.subf %scan3A_30#3, %get3A_80 : vector<32x128xf32>
    %swap3A_82 = arith.constant 2 : index
    %swap3A_83 = arith.constant 0 : index
    %swap3A_84 = arith.constant 0 : index
    %swap3A_85 = vector.load %arg4[%swap3A_82, %swap3A_83, %swap3A_84] : memref<4x32x128xf32, #tpu.memory_space<vmem>>, vector<1x32x128xf32>
    %swap3A_86 = vector.shape_cast %swap3A_85 : vector<1x32x128xf32> to vector<32x128xf32>
    %swap3A_87 = vector.shape_cast %sub3A_81 : vector<32x128xf32> to vector<1x32x128xf32>
    tpu.vector_store %arg4[%swap3A_82, %swap3A_83, %swap3A_84], %swap3A_87 {strides = array<i32>} : memref<4x32x128xf32, #tpu.memory_space<vmem>>, vector<1x32x128xf32>,
    %get3A_88 = arith.constant 10 : index
    %get3A_89 = arith.constant 0 : index
    %get3A_90 = arith.constant 0 : index
    %get3A_91 = vector.load %arg1[%get3A_88, %get3A_89, %get3A_90] : memref<11x32x128xf32, #tpu.memory_space<vmem>>, vector<1x32x128xf32>
    %get3A_92 = vector.shape_cast %get3A_91 : vector<1x32x128xf32> to vector<32x128xf32>
    %sub3A_93 = arith.subf %scan3A_30#4, %get3A_92 : vector<32x128xf32>
    %swap3A_94 = arith.constant 3 : index
    %swap3A_95 = arith.constant 0 : index
    %swap3A_96 = arith.constant 0 : index
    %swap3A_97 = vector.load %arg4[%swap3A_94, %swap3A_95, %swap3A_96] : memref<4x32x128xf32, #tpu.memory_space<vmem>>, vector<1x32x128xf32>
    %swap3A_98 = vector.shape_cast %swap3A_97 : vector<1x32x128xf32> to vector<32x128xf32>
    %swap3A_99 = vector.shape_cast %sub3A_93 : vector<32x128xf32> to vector<1x32x128xf32>
    tpu.vector_store %arg4[%swap3A_94, %swap3A_95, %swap3A_96], %swap3A_99 {strides = array<i32>} : memref<4x32x128xf32, #tpu.memory_space<vmem>>, vector<1x32x128xf32>,
    return
  }
  func.func @transform_0(%arg0: i32) -> (i32, i32, i32) {
    %c0_i32 = arith.constant 0 : i32
    %c0_i32_0 = arith.constant 0 : i32
    %c0_i32_1 = arith.constant 0 : i32
    return %c0_i32, %arg0, %c0_i32_0 : i32, i32, i32
  }
  func.func @transform_1(%arg0: i32) -> (i32, i32) {
    %c0_i32 = arith.constant 0 : i32
    %c0_i32_0 = arith.constant 0 : i32
    %c0_i32_1 = arith.constant 0 : i32
    return %c0_i32, %c0_i32_0 : i32, i32
  }
  func.func @transform_2(%arg0: i32) -> (i32, i32) {
    %c0_i32 = arith.constant 0 : i32
    %c0_i32_0 = arith.constant 0 : i32
    return %arg0, %c0_i32 : i32, i32
  }
  func.func @transform_3(%arg0: i32) -> (i32, i32, i32) {
    %c0_i32 = arith.constant 0 : i32
    %c0_i32_0 = arith.constant 0 : i32
    %c0_i32_1 = arith.constant 0 : i32
    return %c0_i32, %arg0, %c0_i32_0 : i32, i32, i32
  }
}

</mosaic_0001>

<sc_bundles>
// kernel: kernel.4.cloned.1.call-start
scs
__scs_entry_jumppad:
0x0: {  	(pc) =	sbr.rel $0x88, $3  }
0x1: {  	(tag) =	ssettag $0x0;
	lr =	simm.s32 $0x1  }
0x2: {  	[smem:$0x3FA0] =	sst lr;
	_ =	strace $0xD0000000  }
0x3: {  	_ = 	snop  }
0x4: {  	_ = 	snop  }
0x5: {  	_ = 	snop  }
0x6: {  	_ = 	snop  }
0x7: {  	_ = 	snop  }
__scs_overlays_trampoline_lowered:
0x8: {  	[smem:$0x3FAF] =	sst s0  }
0x9: {  	[smem:$0x3FB0] =	sst s1  }
0xa: {  	[smem:$0x3FB1] =	sst s2  }
0xb: {  	[smem:$0x3FB2] =	sst s3  }
0xc: {  	[smem:$0x3FB3] =	sst s4  }
0xd: {  	[smem:$0x3FB4] =	sst s5  }
0xe: {  	[smem:$0x3FB5] =	sst s6  }
0xf: {  	[smem:$0x3FB6] =	sst s7  }
0x10: {  	[smem:$0x3FB7] =	sst s8  }
0x11: {  	[smem:$0x3FB8] =	sst s9;
	s0 =	simm.s32 @!p0 $0x0  }
0x12: {  	s1 =	sld [smem:$0x3F9E];
	s0 =	simm.s32 @p0 $0x1  }
0x13: {  	[smem:$0x3FB9] =	sst s0;
	s0 =	simm.s32 @!p1 $0x0  }
0x14: {  	s2 =	sld [smem:$0x3F9D];
	s0 =	simm.s32 @p1 $0x1  }
0x15: {  	[smem:$0x3FBA] =	sst s0;
	s0 =	simm.s32 @!p2 $0x0  }
0x16: {  	s3 =	sld [smem:$0x3FDB];
	s0 =	simm.s32 @p2 $0x1  }
0x17: {  	s4 =	simm.s32 $0x1BF5;
	[smem:$0x3FBC] =	sst s0  }
0x18: {  	s0 =	sld [smem:$0x3F9F];
	_ =	swait.ge [sflag:s4], $0x0  }
0x19: {  	s7 =	sld [smem:$0x3FA0]  }
0x1a: {  	s8 =	sadd.s32 $0xFFFFE003, lr  }
0x1b: {  	s9 =	sadd.s32 $0xFFFFFEF7, lr;
	s5 =	simm.s32 $0xFFFFFFFF;
	p2 =	slt.u32 s8, $0xFFFFF086  }
0x1c: {  	p1 =	slt.u32 s9, $0xF7A;
	s5 =	simm.s32 @!p2 $0x0  }
0x1d: {  	s5 =	simm.s32 @p1 $0x1;
	p0 =	seq.s32 s7, s2  }
0x1e: {  	s7 =	smul.u32 @!p0 $0xF7A, s2;
	p2 =	seq.s32 @!p0 s5, $0x0  }
0x1f: {  	s9 =	smul.u32 $0xF7A, s1;
	s8 =	simm.s32 @!p0 $0x1BF5;
	p2 =	por !p2, p0  }
0x20: {  	[sflag:s8] =	ssyncset.s32 @!p0 $0xFFFFF086;
	s6 =	sadd.s32 @!p0 s3, s7;
	s7 =	simm.s32 @!p0 $0x108  }
0x21: {  	s3 =	sadd.s32 s3, s9;
	s6 =	sadd.s32 @!p0 $0x88, s6;
	s7 =	simm.s32 @p2 $0x1082  }
0x22: {  	[simem:s7], [sflag:s8] =	dma.local @!p0 [hbm:s6], $0xF7A  }
0x23: {  	s9 =	sor.u32 $0xD0000000, s2;
	s6 =	simm.s32 $0x108;
	_ =	swait.ge @!p0 [sflag:s8], $0x0  }
0x24: {  	s3 =	sadd.s32 $0x88, s3;
	s6 =	simm.s32 @!p1 $0x1082;
	[sflag:s4] =	ssyncset.s32 $0xFFFFF086  }
0x25: {  	[simem:s6], [sflag:s4] =	dma.local [hbm:s3], $0xF7A  }
0x26: {  	[smem:$0x3FA0] =	sst s1;
	(tag) =	ssettag s2;
	_ =	strace s9  }
0x27: {  	s1 =	sld [smem:$0x3FB0]  }
0x28: {  	s2 =	sld [smem:$0x3FB1]  }
0x29: {  	s4 =	sld [smem:$0x3FB3]  }
0x2a: {  	p0 =	seq.s32 s5, $0x0;
	s5 =	sld [smem:$0x3FB4]  }
0x2b: {  	s6 =	sld [smem:$0x3FB5]  }
0x2c: {  	s7 =	sld [smem:$0x3FB6]  }
0x2d: {  	s3 =	simm.s32 $0x108;
	s8 =	sld [smem:$0x3FB7]  }
0x2e: {  	s3 =	simm.s32 @!p0 $0x1082;
	s9 =	sld [smem:$0x3FB8]  }
0x2f: {  	lr =	sadd.s32 s0, s3;
	s0 =	sld [smem:$0x3FAF]  }
0x30: {  	s3 =	sld [smem:$0x3FB2]  }
0x31: {  	[smem:$0x3FBB] =	sst s10  }
0x32: {  	s10 =	sld [smem:$0x3FB9];
	_ =	sdelay $0x3  }
0x33: {  	p0 =	seq.s32 s10, $0x1;
	s10 =	sld [smem:$0x3FBB];
	_ =	sdelay $0x3  }
0x34: {  	[smem:$0x3FBB] =	sst s10  }
0x35: {  	s10 =	sld [smem:$0x3FBA];
	_ =	sdelay $0x3  }
0x36: {  	p1 =	seq.s32 s10, $0x1;
	s10 =	sld [smem:$0x3FBB];
	_ =	sdelay $0x3  }
0x37: {  	[smem:$0x3FBB] =	sst s10  }
0x38: {  	s10 =	sld [smem:$0x3FBC]  }
0x39: {  	_ = 	snop;
	(pc) =	sbr.ind lr, $3  }
0x3a: {  	_ = 	snop  }
0x3b: {  	_ = 	snop  }
0x3c: {  	p2 =	seq.s32 s10, $0x1;
	s10 =	sld [smem:$0x3FBB]  }
0x3d: {  	_ =	shalt  }
0x3e: {  	_ =	shalt  }
0x3f: {  	_ =	shalt  }
0x40: {  	_ =	shalt  }
0x41: {  	_ =	shalt  }
0x42: {  	_ =	shalt  }
0x43: {  	_ =	shalt  }
0x44: {  	_ =	shalt  }
0x45: {  	_ =	shalt  }
0x46: {  	_ =	shalt  }
0x47: {  	_ =	shalt  }
0x48: {  	_ =	shalt  }
0x49: {  	_ =	shalt  }
0x4a: {  	_ =	shalt  }
0x4b: {  	_ =	shalt  }
0x4c: {  	_ =	shalt  }
0x4d: {  	_ =	shalt  }
0x4e: {  	_ =	shalt  }
0x4f: {  	_ =	shalt  }
0x50: {  	_ =	shalt  }
0x51: {  	_ =	shalt  }
0x52: {  	_ =	shalt  }
0x53: {  	_ =	shalt  }
0x54: {  	_ =	shalt  }
0x55: {  	_ =	shalt  }
0x56: {  	_ =	shalt  }
0x57: {  	_ =	shalt  }
0x58: {  	_ =	shalt  }
0x59: {  	_ =	shalt  }
0x5a: {  	_ =	shalt  }
0x5b: {  	_ =	shalt  }
0x5c: {  	_ =	shalt  }
0x5d: {  	_ =	shalt  }
0x5e: {  	_ =	shalt  }
0x5f: {  	_ =	shalt  }
0x60: {  	_ =	shalt  }
0x61: {  	_ =	shalt  }
0x62: {  	_ =	shalt  }
0x63: {  	_ =	shalt  }
0x64: {  	_ =	shalt  }
0x65: {  	_ =	shalt  }
0x66: {  	_ =	shalt  }
0x67: {  	_ =	shalt  }
0x68: {  	_ =	shalt  }
0x69: {  	_ =	shalt  }
0x6a: {  	_ =	shalt  }
0x6b: {  	_ =	shalt  }
0x6c: {  	_ =	shalt  }
0x6d: {  	_ =	shalt  }
0x6e: {  	_ =	shalt  }
0x6f: {  	_ =	shalt  }
0x70: {  	_ =	shalt  }
0x71: {  	_ =	shalt  }
0x72: {  	_ =	shalt  }
0x73: {  	_ =	shalt  }
0x74: {  	_ =	shalt  }
0x75: {  	_ =	shalt  }
0x76: {  	_ =	shalt  }
0x77: {  	_ =	shalt  }
0x78: {  	_ =	shalt  }
0x79: {  	_ =	shalt  }
0x7a: {  	_ =	shalt  }
0x7b: {  	_ =	shalt  }
0x7c: {  	_ =	shalt  }
0x7d: {  	_ =	shalt  }
0x7e: {  	_ =	shalt  }
0x7f: {  	_ =	shalt  }
0x80: {  	_ =	shalt  }
0x81: {  	_ =	shalt  }
0x82: {  	_ =	shalt  }
0x83: {  	_ =	shalt  }
0x84: {  	_ =	shalt  }
0x85: {  	_ =	shalt  }
0x86: {  	_ =	shalt  }
0x87: {  	_ =	shalt  }
.Lfunc_end0:
.L_simem_size_0:
called_computation_lowered:
.L_overlay_start_0:
0x88: {  	s2 =	sld [smem:$0x3FD9]  }
0x89: {  	s3 =	sld [smem:$0x3FFE];
	_ =	sdelay $0x1  }
0x8a: {  	s1 =	srdreg.scid  }
0x8b: {  	s0 =	sand.u32 $0x1, s1  }
0x8c: {  	s15 =	sshll.u32 s0, $0xA;
	s2 =	sadd.s32 s3, s2  }
0x8d: {  	s2 =	sadd.s32 s2, s15  }
0x8e: {  	[smem:$0x3FC7] =	sst s2  }
0x8f: {  	_ = 	snop  }
0x90: {  	s2 =	sld [smem:$0x3FD0];
	_ =	sdelay $0x2  }
0x91: {  	s16 =	simm.s32 $0xA;
	s4 =	simm.s32 $0x10  }
0x92: {  	[smem:s4], [sflag:s16] =	dma.local [hbm:s2], $0x1  }
0x93: {  	_ =	swait.eq [sflag:s16], $0x1  }
0x94: {  	s17 =	sld [smem:$0x10];
	[sflag:s16] =	ssyncset.done $0x0  }
0x95: {  	s18 =	sld [smem:$0x11];
	[sflag:s16] =	ssyncadd.s32 $0xFFFFFFFF  }
0x96: {  	s19 =	sld [smem:$0x12];
	(tm) =	ssettm $0x1  }
0x97: {  	s5 =	sld [smem:$0x3FFB];
	_ =	sdelay $0x3  }
0x98: {  	_ =	strace s5  }
0x99: {  	s5 =	sld [smem:$0x3FFC];
	_ =	sdelay $0x3  }
0x9a: {  	_ =	strace s5  }
0x9b: {  	s5 =	sld [smem:$0x3FFD];
	_ =	sdelay $0x3  }
0x9c: {  	_ =	strace s5  }
0x9d: {  	_ =	strace $0x8FFFFFFF  }
0x9e: {  	s20 =	sld [smem:$0x3FDB];
	_ =	sdelay $0x1  }
0x9f: {  	s6 =	simm.s32 $_scs_section_size  }
0xa0: {  	s7 =	simm.s32 $_size__tile_overlayer_lowered;
	s8 =	simm.s32 $_tile_overlayer_lowered  }
0xa1: {  	s23 =	simm.s32 $0x1BFF;
	s22 =	sshll.u32 s8, $0x1;
	s5 =	sadd.s32 s6, s20  }
0xa2: {  	s9 =	simm.s32 $0x0;
	s21 =	sshll.u32 s7, $0x1;
	s7 =	sadd.s32 s22, s5  }
0xa3: {  	[timem:s9], [sflag:s23] =	dma.local [hbm:s7], s21  }
0xa4: {  	_ =	swait.ge [sflag:s23], s21  }
0xa5: {  	s6 =	ssub.s32 $0x0, s21;
	[sflag:s23] =	ssyncset.done $0x0  }
0xa6: {  	[sflag:s23] =	ssyncadd.s32 s6;
	_ =	sdelay $0x1  }
0xa7: {  	s24 =	simm.s32 $0x1B8B  }
0xa8: {  	_ =	swait.ge [sflag:s24], $0x1  }
0xa9: {  	[sflag:s24] =	ssyncset.done $0x0  }
0xaa: {  	s25 =	simm.s32 $0x1B8E;
	[sflag:s24] =	ssyncadd.s32 $0xFFFFFFFF  }
0xab: {  	s26 =	simm.s32 $execute0_lowered;
	[smem:$0x3FD2] =	sst s25  }
0xac: {  	s6 =	sshll.u32 s26, $0x1;
	_ =	strace $0x80000046;
	[dreg:$0x1] =	wrdreg $0xFFFFFFFF  }
0xad: {  	s28 =	simm.s32 $_size_execute0_lowered;
	s5 =	sadd.s32 s5, s6;
	[dreg:$0x0] =	wrdreg $0x0  }
0xae: {  	s6 =	sshll.u32 s28, $0x1;
	[dreg:$0x2] =	wrdreg s5  }
0xaf: {  	[dreg:$0x3] =	wrdreg s6  }
0xb0: {  	[dreg:$0x4] =	wrdreg $0xC0  }
0xb1: {  	_ =	task [dreg:s9], $0x5FFFF  }
0xb2: {  	[dreg:$0x1] =	wrdreg $0xFFFFFFFF  }
0xb3: {  	[dreg:$0x0] =	wrdreg $0x60  }
0xb4: {  	[dreg:$0x2] =	wrdreg s18  }
0xb5: {  	[dreg:$0x3] =	wrdreg s17  }
0xb6: {  	[dreg:$0x4] =	wrdreg s19  }
0xb7: {  	[dreg:$0x5] =	wrdreg $0x9  }
0xb8: {  	_ =	task.clear_ibuf [dreg:s9], $0x6FFFF;
	_ =	strace $0x90000046  }
0xb9: {  	s29 =	simm.s32 $0x9;
	_ =	strace $0x80000048  }
0xba: {  	_ =	swait.ge [sflag:s29], $0x1  }
0xbb: {  	[sflag:s29] =	ssyncadd.s32 $0xFFFFFFFF  }
0xbc: {  	_ =	strace $0x90000048  }
0xbd: {  	_ =	sfence  }
0xbe: {  	s30 =	sld [smem:$0x0];
	_ =	sdelay $0x2  }
0xbf: {  	s31 =	sshll.u32 s1, $0xD;
	s1 =	sshrl.u32 s1, $0x2  }
0xc0: {  	s3 =	sand.u32 $0x4000, s31;
	s1 =	sadd.s32 s1, s30  }
0xc1: {  	s0 =	sor.u32 s3, s0;
	s1 =	sshll.u32 s1, $0x11  }
0xc2: {  	s0 =	sor.u32 s1, s0  }
0xc3: {  	s0 =	sadd.s32 $0x8F2B, s0  }
0xc4: {  	[sflag:s0] =	ssyncadd.remote.s32 $0x1  }
0xc5: {  	_ =	sfence.sel $0xFFFF  }
0xc6: {  	[dreg:$0x0] =	wrdreg $0xFFFFFFFF;
	(pc) =	sbr.abs _section_cstart, $3  }
0xc7: {  	[dreg:$0x1] =	wrdreg $0xFFFFFFFF  }
0xc8: {  	_ =	task.clear_ibuf [dreg:s9], $0x2FFFF;
	_ =	strace $0x9FFFFFFF  }
0xc9: {  	(tm) =	ssettm $0x7FFFFFFF  }
tec
execute0_lowered:
.L_overlay_start_1:
0x0: {  	(tag) =	ssettag $0x1  }
0x1: {  	s1 =	rddreg [dreg:$0x0];
	s2 =	srdreg.scid  }
0x2: {  	s0 =	stileid.u32;
	s6 =	rddreg [dreg:$0x1]  }
0x3: {  	s5 =	rddreg [dreg:$0x2];
	s3 =	simm.s32 $0x0;
	s11 =	simm.s32 $0x1  }
0x4: {  	s12 =	simm.s32 $0x560;
	s13 =	simm.s32 $0x710;
	s14 =	simm.s32 $0x8C0  }
0x5: {  	s15 =	simm.s32 $0xA70;
	s4 =	sand.u32 $0x1, s2;
	s31 =	sshll.u32 s0, $0x1  }
0x6: {  	s16 =	simm.s32 $0xC20;
	s17 =	simm.s32 $0x0;
	s7 =	sor.u32 s4, s31  }
0x7: {  	[smem:$0x7FF] =	sst s3;
	s4 =	ssub.s32 $0x2, s4;
	s8 =	smul.u32 $0x1B0, s7  }
0x8: {  	s2 =	rddreg [dreg:$0x3];
	_ =	strace $0x80000047;
	s9 =	sshrl.u32 s4, $0x1  }
0x9: {  	s10 =	ssub.s32 s4, s9;
	s4 =	smul.u32 $0x3, s7;
	s8 =	sshrl.u32 s8, $0x3  }
0xa: {  	v0 =	vlaneseq.u32;
	s10 =	smax.u32 s10, $0x1;
	s5 =	sadd.s32 s5, s8;
	s6 =	sadd.s32 s6, s8  }
0xb: {  	v2 =	vimm.f32 $-1.000000000e+00;
	v1 =	vmul.u32 $0x9, v0;
	s7 =	sadd.s32 $0x1200, s5;
	s8 =	sadd.s32 $0x2400, s5;
	s9 =	sadd.s32 $0x3600, s5  }
.LBB2_1:
0xc: {  	[tilespmem:s3], [sflag:$0x1] =	stream.linear.gather [hbm4b:s1+s3], $0x560, $0x38;
	[tilespmem:$0xDD0] =	vst v63  }
0xd: {  	_ =	swait.ge [sflag:s11], $0x560  }
0xe: {  	[sflag:s11] =	ssyncset.done $0x0  }
0xf: {  	s18 =	simm.s32 $0x0;
	[sflag:s11] =	ssyncadd.s32 $0xFFFFFAA0  }
.LBB2_2:
0x10: {  	s19 =	sadd.s32 s4, s18  }
0x11: {  	s20 =	sshrl.u32 s19, $0x2;
	s19 =	sshll.u32 s19, $0x4  }
0x12: {  	s20 =	scvt.s32.f32 s20;
	s19 =	sand.u32 $0x30, s19  }
0x13: {  	v3 =	vor.u32 s19, v0  }
0x14: {  	s20 =	sadd.f32 $5.000000000e-01, s20;
	v3 =	vcvt.s32.f32 v3  }
0x15: {  	s31 =	smul.u32 $0x90, s18  }
0x16: {  	s30 =	smul.f32 $1.600000000e+01, s20;
	v4 =	vadd.f32 $5.000000000e-01, v3;
	_ =	sdelay $0x1  }
0x17: {  	v5 =	vadd.s32 s31, v1;
	s19 =	simm.s32 $0x0;
	s20 =	simm.s32 $0x0;
	v3 =	vmov s30;
	v4 =	vmul.f32 $1.600000000e+01, v4  }
.LBB2_3:
0x18: {  	s21 =	smul.u32 $0x3, s20  }
0x19: {  	v27 =	vmov s19  }
0x1a: {  	v37 =	vor.u32 $0x80, v27;
	v18 =	vmov s21  }
0x1b: {  	v6 =	vor.u32 $0x500, v18  }
0x1c: {  	s22 =	sadd.s32 $0x1, s21;
	v7 =	vor.u32 $0x510, v18  }
0x1d: {  	v8 =	vor.u32 $0x520, v18;
	v9 =	vmov s22  }
0x1e: {  	v10 =	vor.u32 $0x530, v18;
	v12 =	vand.u32 $0x18, v9;
	v13 =	vand.u32 $0x7, v9  }
0x1f: {  	v11 =	vor.u32 $0x500, v9;
	v14 =	vor.u32 v13, v12;
	v58 =	vld.idx.msk [tilespmem:v37+s3+$0x0], $0xffff  }
0x20: {  	s21 =	sadd.s32 $0x2, s21;
	v16 =	vadd.s32 $0x510, v14;
	v15 =	vld.idx.msk [tilespmem:v6+s19+$0x0], $0xffff  }
0x21: {  	v19 =	vor.u32 $0x520, v9;
	v17 =	vld.idx.msk [tilespmem:v7+s19+$0x0], $0xffff;
	v6 =	vmov s21  }
0x22: {  	v14 =	vadd.s32 $0x530, v14;
	v20 =	vld.idx.msk [tilespmem:v8+s19+$0x0], $0xffff;
	v7 =	vand.u32 $0x18, v6;
	v8 =	vand.u32 $0x7, v6  }
0x23: {  	v10 =	vld.idx.msk [tilespmem:v10+s19+$0x0], $0xffff;
	v21 =	vor.u32 $0x500, v6;
	v22 =	vor.u32 v8, v7  }
0x24: {  	v11 =	vld.idx.msk [tilespmem:v11+s19+$0x0], $0xffff;
	v23 =	vadd.s32 $0x510, v22  }
0x25: {  	v25 =	vld.idx.msk [tilespmem:v16+s19+$0x0], $0xffff;
	v16 =	vor.u32 $0x520, v6  }
0x26: {  	v19 =	vld.idx.msk [tilespmem:v19+s19+$0x0], $0xffff;
	v24 =	vadd.s32 $0x530, v22  }
0x27: {  	v35 =	vor.u32 $0x200, v27;
	v14 =	vld.idx.msk [tilespmem:v14+s19+$0x0], $0xffff  }
0x28: {  	v36 =	vor.u32 $0x100, v27;
	v37 =	vimm.f32 $-1.000000000e+00;
	s21 =	simm.s32 $0x1;
	v26 =	vld.idx.msk [tilespmem:v21+s19+$0x0], $0xffff  }
0x29: {  	v59 =	vmov s21;
	v32 =	vadd.f32 v17, v4;
	v21 =	vadd.f32 v15, v4;
	v15 =	vld.idx.msk [tilespmem:v23+s19+$0x0], $0xffff  }
0x2a: {  	v47 =	vor.u32 $0x80, v59;
	v22 =	vadd.f32 v20, v3;
	v34 =	vadd.f32 v10, v3;
	v20 =	vld.idx.msk [tilespmem:v16+s19+$0x0], $0xffff  }
0x2b: {  	v40 =	vor.u32 $0x200, v59;
	v17 =	vadd.f32 v19, v3;
	v28 =	vld.idx.msk [tilespmem:v24+s19+$0x0], $0xffff;
	v24 =	vsub.f32 v32, v21  }
0x2c: {  	v38 =	vld.idx.msk [tilespmem:v35+s3+$0x0], $0xffff;
	v31 =	vadd.f32 v25, v4;
	v25 =	vor.u32 $0x180, v27;
	v33 =	vadd.f32 v14, v3  }
0x2d: {  	v45 =	vor.u32 $0x100, v59;
	v23 =	vsub.f32 v34, v22;
	v10 =	vadd.f32 v26, v4;
	v26 =	vld.idx.msk [tilespmem:v27+s3+$0x0], $0xffff  }
0x2e: {  	v46 =	vor.u32 $0x180, v59;
	v16 =	vadd.f32 v11, v4;
	v19 =	vsub.f32 v33, v17;
	v27 =	vld.idx.msk [tilespmem:v36+s3+$0x0], $0xffff  }
0x2f: {  	v39 =	vmul.f32 v23, v24;
	v29 =	vadd.f32 v15, v4;
	v11 =	vadd.f32 v20, v3  }
0x30: {  	v50 =	vmax.f32 v22, v58;
	v30 =	vadd.f32 v28, v3;
	v20 =	vsub.f32 v31, v16  }
0x31: {  	v60 =	vmax.f32 v17, v58;
	v48 =	vadd.f32 v38, v39;
	v25 =	vld.idx.msk [tilespmem:v25+s3+$0x0], $0xffff;
	v15 =	vsub.f32 v29, v10  }
0x32: {  	v14 =	vsub.f32 v30, v11;
	v35 =	vmul.f32 v19, v20;
	v41 =	vmax.f32 v21, v26  }
0x33: {  	v42 =	vmax.f32 v16, v26;
	v26 =	vmax.f32 v10, v26;
	v43 =	vmin.f32 v32, v27  }
0x34: {  	v51 =	vmin.f32 v31, v27;
	v27 =	vmin.f32 v29, v27;
	v49 =	vadd.f32 v38, v35  }
0x35: {  	v28 =	vmul.f32 v14, v15;
	v41 =	vsub.f32 v43, v41;
	v42 =	vsub.f32 v51, v42  }
0x36: {  	v26 =	vsub.f32 v27, v26;
	v27 =	vmax.f32 v11, v58;
	v44 =	vmin.f32 v34, v25  }
0x37: {  	v52 =	vmin.f32 v33, v25;
	v25 =	vmin.f32 v30, v25;
	v44 =	vsub.f32 v44, v50  }
0x38: {  	v43 =	vsub.f32 v52, v60;
	v61 =	vmax.f32 v41, $0.0e+00;
	v25 =	vsub.f32 v25, v27  }
0x39: {  	v27 =	vmax.f32 v42, $0.0e+00;
	v26 =	vmax.f32 v26, $0.0e+00;
	v62 =	vmax.f32 v44, $0.0e+00  }
0x3a: {  	v45 =	vld.idx.msk [tilespmem:v45+s3+$0x0], $0xffff;
	v43 =	vmax.f32 v43, $0.0e+00;
	v25 =	vmax.f32 v25, $0.0e+00;
	v42 =	vmul.f32 v62, v61  }
0x3b: {  	v41 =	vimm.f32 $-1.000000000e+00;
	v44 =	vld.idx.msk [tilespmem:v59+s3+$0x0], $0xffff;
	v36 =	vmul.f32 v43, v27;
	v27 =	vmul.f32 v25, v26  }
0x3c: {  	v43 =	vld.idx.msk [tilespmem:v40+s3+$0x0], $0xffff;
	v25 =	vadd.f32 v38, v28;
	v40 =	vimm.s32 $0x0;
	v63 =	vsub.f32 v48, v42  }
0x3d: {  	v46 =	vld.idx.msk [tilespmem:v46+s3+$0x0], $0xffff;
	v38 =	vimm.s32 $0x0;
	v26 =	vimm.s32 $0x0;
	v48 =	vsub.f32 v49, v36  }
0x3e: {  	s23 =	simm.s32 $0x2;
	s22 =	simm.s32 $0x0;
	v47 =	vld.idx.msk [tilespmem:v47+s3+$0x0], $0xffff;
	v49 =	vsub.f32 v25, v27;
	v25 =	vimm.f32 $-1.000000000e+00;
	(erf) = vrcp.f32 v63  }
.LBB2_4:
0x3f: {  	v50 =	vmov s23;
	p0 =	sne.s32 s23, $0x63;
	(erf) = vrcp.f32 v48  }
0x40: {  	v51 =	vor.u32 $0x80, v50;
	v48 =	vor.u32 $0x200, v50;
	(erf) = vrcp.f32 v49  }
0x41: {  	v53 =	vmax.f32 v21, v44;
	v49 =	vor.u32 $0x100, v50;
	v52 =	vor.u32 $0x180, v50;
	v54 =	vmovc v43  }
0x42: {  	v43 =	vmax.f32 v16, v44;
	v44 =	vmax.f32 v10, v44;
	v55 =	vadd.f32 v54, v39  }
0x43: {  	v56 =	vmin.f32 v32, v45;
	v58 =	vadd.f32 v54, v35;
	v57 =	vmin.f32 v34, v46  }
0x44: {  	v60 =	vmin.f32 v31, v45;
	v61 =	vmin.f32 v33, v46;
	v59 =	vmax.f32 v22, v47  }
0x45: {  	v45 =	vmin.f32 v29, v45;
	v53 =	vsub.f32 v56, v53;
	v56 =	vmax.f32 v17, v47  }
0x46: {  	v43 =	vsub.f32 v60, v43;
	v57 =	vsub.f32 v57, v59;
	v59 =	vmin.f32 v30, v46  }
0x47: {  	v44 =	vsub.f32 v45, v44;
	v45 =	vmax.f32 v11, v47;
	v56 =	vsub.f32 v61, v56;
	v47 =	vpop (erf)  }
0x48: {  	v53 =	vmax.f32 v53, $0.0e+00;
	v45 =	vsub.f32 v59, v45;
	v57 =	vmax.f32 v57, $0.0e+00;
	v46 =	vpop (erf)  }
0x49: {  	v43 =	vmax.f32 v43, $0.0e+00;
	v56 =	vmax.f32 v56, $0.0e+00;
	v47 =	vmul.f32 v47, v42;
	v42 =	vpop (erf)  }
0x4a: {  	v59 =	vmax.f32 v44, $0.0e+00;
	v46 =	vmul.f32 v46, v36;
	v27 =	vmul.f32 v42, v27  }
0x4b: {  	v36 =	vmul.f32 v56, v43;
	v42 =	vmul.f32 v57, v53;
	v53 =	vmax.f32 v45, $0.0e+00  }
.Ltmp0:
0x4c: {  	vm0 =	vgt.f32 v47, v41;
	vm1 =	vgt.f32 v46, v37;
	v44 =	vld.idx.msk [tilespmem:v50+s3+$0x0], $0xffff;
	vm2 =	vgt.f32 v27, v25;
	(pc) =	sbr.rel @p0 .LBB2_4-.Ltmp0, $4  }
0x4d: {  	v41 =	vsel vm0, v47, v41;
	v37 =	vsel vm1, v46, v37;
	v43 =	vld.idx.msk [tilespmem:v48+s3+$0x0], $0xffff;
	v25 =	vsel vm2, v27, v25  }
0x4e: {  	v50 =	vsub.f32 v55, v42;
	v27 =	vmul.f32 v53, v59;
	v45 =	vld.idx.msk [tilespmem:v49+s3+$0x0], $0xffff;
	v49 =	vadd.f32 v54, v28  }
0x4f: {  	v40 =	vsel vm0, s22, v40;
	v38 =	vsel vm1, s22, v38;
	v48 =	vsub.f32 v58, v36;
	v46 =	vld.idx.msk [tilespmem:v52+s3+$0x0], $0xffff  }
0x50: {  	v26 =	vsel vm2, s22, v26;
	s22 =	smov.u32 s21;
	s21 =	smov.u32 s23;
	s23 =	sadd.s32 $0x1, s23;
	v47 =	vld.idx.msk [tilespmem:v51+s3+$0x0], $0xffff;
	v49 =	vsub.f32 v49, v27;
	(erf) = vrcp.f32 v50  }
0x51: {  	_ =	sdelay $0x2  }
0x52: {  	v50 =	vmax.f32 v21, v44  }
0x53: {  	v32 =	vmin.f32 v32, v45;
	v34 =	vmin.f32 v34, v46;
	v51 =	vmax.f32 v22, v47  }
0x54: {  	v32 =	vsub.f32 v32, v50;
	v34 =	vsub.f32 v34, v51;
	_ =	sdelay $0x1  }
0x55: {  	v32 =	vmax.f32 v32, $0.0e+00;
	v34 =	vmax.f32 v34, $0.0e+00  }
0x56: {  	v39 =	vadd.f32 v43, v39;
	v32 =	vmul.f32 v34, v32;
	_ =	sdelay $0x1  }
0x57: {  	(erf) = vrcp.f32 v48;
	v34 =	vsub.f32 v39, v32  }
0x58: {  	(erf) = vrcp.f32 v49  }
0x59: {  	(erf) = vrcp.f32 v34;
	_ =	sdelay $0x1  }
0x5a: {  	v63 =	vmax.f32 v16, v44  }
0x5b: {  	v31 =	vmin.f32 v31, v45;
	v33 =	vmin.f32 v33, v46;
	v48 =	vmax.f32 v17, v47  }
0x5c: {  	v31 =	vsub.f32 v31, v63;
	v33 =	vsub.f32 v33, v48  }
0x5d: {  	v49 =	vmax.f32 v10, v44;
	v35 =	vadd.f32 v43, v35;
	v29 =	vmin.f32 v29, v45  }
0x5e: {  	v30 =	vmin.f32 v30, v46;
	v31 =	vmax.f32 v31, $0.0e+00;
	v33 =	vmax.f32 v33, $0.0e+00;
	v51 =	vpop (erf)  }
0x5f: {  	v29 =	vsub.f32 v29, v49;
	v50 =	vmax.f32 v11, v47;
	v31 =	vmul.f32 v33, v31;
	v52 =	vpop (erf)  }
0x60: {  	v30 =	vsub.f32 v30, v50;
	v53 =	vmul.f32 v51, v42;
	v39 =	vpop (erf)  }
0x61: {  	v28 =	vadd.f32 v43, v28;
	v29 =	vmax.f32 v29, $0.0e+00;
	v35 =	vsub.f32 v35, v31;
	v54 =	vpop (erf)  }
0x62: {  	v30 =	vmax.f32 v30, $0.0e+00;
	vm0 =	vgt.f32 v53, v41;
	v32 =	vmul.f32 v54, v32  }
0x63: {  	v29 =	vmul.f32 v30, v29;
	v34 =	vsel vm0, v53, v41;
	(erf) = vrcp.f32 v35  }
0x64: {  	v55 =	vsel vm0, s22, v40;
	vm1 =	vgt.f32 v32, v34  }
0x65: {  	v61 =	vor.u32 $0x540, v18;
	v28 =	vsub.f32 v28, v29;
	v30 =	vsel vm1, s21, v55  }
0x66: {  	v24 =	vadd.f32 $1.000000000e+00, v24;
	v56 =	vadd.s32 $0x280, v30  }
0x67: {  	v23 =	vadd.f32 $1.000000000e+00, v23;
	(erf) = vrcp.f32 v28;
	v57 =	vadd.s32 $0x300, v30  }
0x68: {  	(erf) = vrcp.f32 v24;
	v59 =	vadd.s32 $0x480, v30  }
0x69: {  	v63 =	vor.u32 $0x550, v18;
	(erf) = vrcp.f32 v23  }
0x6a: {  	v47 =	vadd.s32 v5, v18;
	v48 =	vld.idx.msk [tilespmem:v61+s3+$0x0], $0xffff;
	v33 =	vmul.f32 v52, v36;
	v58 =	vadd.s32 $0x380, v30  }
0x6b: {  	v50 =	vand.u32 $0x7FF, v47;
	v30 =	vadd.s32 $0x400, v30;
	v35 =	vld.idx.msk [tilespmem:v56+s3+$0x0], $0xffff  }
0x6c: {  	vm8 =	vgt.f32 v33, v37;
	v24 =	vmul.f32 $5.000000000e-01, v24;
	v23 =	vmul.f32 $5.000000000e-01, v23;
	v60 =	vpop (erf);
	v62 =	vld.idx.msk [tilespmem:v57+s3+$0x0], $0xffff  }
0x6d: {  	v53 =	vadd.s32 $0x1B0, v50;
	v33 =	vsel vm8, v33, v37;
	v31 =	vmul.f32 v60, v31;
	v45 =	vld.idx.msk [tilespmem:v59+s3+$0x0], $0xffff  }
0x6e: {  	v40 =	vld.idx.msk [tilespmem:v63+s3+$0x0], $0xffff;
	v44 =	vsel vm8, s22, v38;
	v46 =	vadd.f32 v24, v21;
	v49 =	vadd.f32 v23, v22  }
0x6f: {  	v23 =	vadd.s32 $0x510, v50;
	vm9 =	vgt.f32 v31, v33;
	v32 =	vsel vm1, v32, v34;
	v28 =	vld.idx.msk [tilespmem:v58+s3+$0x0], $0xffff  }
0x70: {  	v51 =	vpop (erf);
	v55 =	vadd.s32 $0x360, v50;
	vm1 =	vlt.f32 v32, $4.000000060e-01;
	v30 =	vld.idx.msk [tilespmem:v30+s3+$0x0], $0xffff;
	v21 =	vsub.f32 v35, v46  }
0x71: {  	v54 =	vpop (erf);
	vm10 =	vge.f32 v32, $5.000000000e-01;
	v52 =	vsel vm1, $0x0, v2;
	v22 =	vsub.f32 v62, v49  }
0x72: {  	v37 =	vsel vm9, s21, v44;
	v56 =	vpop (erf);
	v34 =	vsel vm10, v45, v52;
	v21 =	vmul.f32 v21, v54  }
0x73: {  	v57 =	vadd.s32 $0x280, v37;
	[tilespmem:v47+s12+$0x0] =	vst.idx.msk $0xffff, v34;
	v22 =	vmul.f32 v22, v56  }
0x74: {  	v20 =	vadd.f32 $1.000000000e+00, v20;
	v59 =	vadd.s32 $0x300, v37;
	v58 =	vsub.f32 v28, v48;
	[tilespmem:v47+s13+$0x0] =	vst.idx.msk $0xffff, v21  }
0x75: {  	v19 =	vadd.f32 $1.000000000e+00, v19;
	v61 =	vadd.s32 $0x380, v37;
	v60 =	vsub.f32 v30, v40;
	[tilespmem:v53+s13+$0x0] =	vst.idx.msk $0xffff, v22  }
0x76: {  	v12 =	vadd.s32 v13, v12;
	(erf) = vrcp.f32 v20;
	v62 =	vadd.s32 $0x480, v37;
	[tilespmem:v55+s13+$0x0] =	vst.idx.msk $0xffff, v58  }
0x77: {  	v27 =	vmul.f32 v39, v27;
	(erf) = vrcp.f32 v19;
	v63 =	vadd.s32 $0x400, v37;
	[tilespmem:v23+s13+$0x0] =	vst.idx.msk $0xffff, v60  }
0x78: {  	v12 =	vadd.s32 $0x550, v12;
	v32 =	vor.u32 $0x540, v9;
	v23 =	vld.idx.msk [tilespmem:v57+s3+$0x0], $0xffff  }
0x79: {  	vm11 =	vgt.f32 v27, v25;
	v20 =	vmul.f32 $5.000000000e-01, v20;
	v19 =	vmul.f32 $5.000000000e-01, v19;
	v21 =	vld.idx.msk [tilespmem:v59+s3+$0x0], $0xffff  }
0x7a: {  	v25 =	vsel vm11, v27, v25;
	v26 =	vsel vm11, s22, v26;
	v24 =	vld.idx.msk [tilespmem:v61+s3+$0x0], $0xffff  }
0x7b: {  	v36 =	vadd.f32 v20, v16;
	v39 =	vadd.f32 v19, v17;
	v35 =	vsel vm9, v31, v33;
	v18 =	vld.idx.msk [tilespmem:v62+s3+$0x0], $0xffff  }
0x7c: {  	v37 =	vadd.s32 v5, v9;
	v34 =	vmul.f32 v51, v29;
	vm0 =	vlt.f32 v35, $4.000000060e-01;
	v22 =	vld.idx.msk [tilespmem:v63+s3+$0x0], $0xffff  }
0x7d: {  	v40 =	vand.u32 $0x7FF, v37;
	vm13 =	vge.f32 v35, $5.000000000e-01;
	v41 =	vsel vm0, $0x0, v2;
	v38 =	vld.idx.msk [tilespmem:v32+s3+$0x0], $0xffff  }
0x7e: {  	v42 =	vadd.s32 $0x1B0, v40;
	v44 =	vadd.s32 $0x360, v40;
	v12 =	vld.idx.msk [tilespmem:v12+s3+$0x0], $0xffff;
	v16 =	vsub.f32 v23, v36  }
0x7f: {  	v43 =	vpop (erf);
	v19 =	vadd.s32 $0x510, v40;
	vm12 =	vgt.f32 v34, v25;
	v17 =	vsub.f32 v21, v39  }
0x80: {  	v45 =	vpop (erf);
	v26 =	vsel vm12, s21, v26;
	v18 =	vsel vm13, v18, v41;
	v16 =	vmul.f32 v16, v43  }
0x81: {  	v46 =	vadd.s32 $0x280, v26;
	[tilespmem:v37+s12+$0x0] =	vst.idx.msk $0xffff, v18;
	v17 =	vmul.f32 v17, v45  }
0x82: {  	v15 =	vadd.f32 $1.000000000e+00, v15;
	v48 =	vadd.s32 $0x300, v26;
	v47 =	vsub.f32 v24, v38;
	[tilespmem:v37+s13+$0x0] =	vst.idx.msk $0xffff, v16  }
0x83: {  	v14 =	vadd.f32 $1.000000000e+00, v14;
	v49 =	vadd.s32 $0x380, v26;
	v12 =	vsub.f32 v22, v12;
	[tilespmem:v42+s13+$0x0] =	vst.idx.msk $0xffff, v17  }
0x84: {  	(erf) = vrcp.f32 v15;
	v50 =	vadd.s32 $0x480, v26;
	[tilespmem:v44+s13+$0x0] =	vst.idx.msk $0xffff, v47  }
0x85: {  	(erf) = vrcp.f32 v14;
	v51 =	vadd.s32 $0x400, v26;
	[tilespmem:v19+s13+$0x0] =	vst.idx.msk $0xffff, v12  }
0x86: {  	v7 =	vadd.s32 v8, v7;
	v52 =	vor.u32 $0x540, v6;
	v18 =	vld.idx.msk [tilespmem:v46+s3+$0x0], $0xffff  }
0x87: {  	v7 =	vadd.s32 $0x550, v7;
	v53 =	vld.idx.msk [tilespmem:v48+s3+$0x0], $0xffff  }
0x88: {  	v15 =	vmul.f32 $5.000000000e-01, v15;
	v54 =	vld.idx.msk [tilespmem:v49+s3+$0x0], $0xffff  }
0x89: {  	v14 =	vmul.f32 $5.000000000e-01, v14;
	v9 =	vld.idx.msk [tilespmem:v50+s3+$0x0], $0xffff  }
0x8a: {  	v6 =	vadd.s32 v5, v6;
	v13 =	vsel vm12, v34, v25;
	v55 =	vadd.f32 v15, v10;
	v12 =	vld.idx.msk [tilespmem:v51+s3+$0x0], $0xffff  }
0x8b: {  	vm14 =	vlt.f32 v13, $4.000000060e-01;
	v58 =	vand.u32 $0x7FF, v6;
	v57 =	vadd.f32 v14, v11;
	v56 =	vld.idx.msk [tilespmem:v52+s3+$0x0], $0xffff  }
0x8c: {  	vm15 =	vge.f32 v13, $5.000000000e-01;
	v60 =	vadd.s32 $0x1B0, v58;
	v7 =	vld.idx.msk [tilespmem:v7+s3+$0x0], $0xffff;
	v10 =	vsub.f32 v18, v55  }
0x8d: {  	s20 =	sadd.s32 $0x1, s20;
	v59 =	vsel vm14, $0x0, v2;
	v61 =	vpop (erf);
	v62 =	vadd.s32 $0x360, v58;
	v8 =	vsub.f32 v53, v57  }
0x8e: {  	p0 =	sne.s32 s20, $0x3;
	v14 =	vadd.s32 $0x510, v58;
	v63 =	vpop (erf);
	v9 =	vsel vm15, v9, v59;
	v10 =	vmul.f32 v10, v61  }
.Ltmp1:
0x8f: {  	[tilespmem:v6+s12+$0x0] =	vst.idx.msk $0xffff, v9;
	v8 =	vmul.f32 v8, v63;
	(pc) =	sbr.rel @p0 .LBB2_3-.Ltmp1, $4  }
0x90: {  	[tilespmem:v6+s13+$0x0] =	vst.idx.msk $0xffff, v10;
	v6 =	vsub.f32 v54, v56  }
0x91: {  	v7 =	vsub.f32 v12, v7;
	[tilespmem:v60+s13+$0x0] =	vst.idx.msk $0xffff, v8  }
0x92: {  	[tilespmem:v62+s13+$0x0] =	vst.idx.msk $0xffff, v6  }
0x93: {  	[tilespmem:v14+s13+$0x0] =	vst.idx.msk $0xffff, v7  }
0x94: {  	s18 =	sadd.s32 $0x1, s18  }
0x95: {  	p0 =	sne.s32 s18, $0x3  }
.Ltmp2:
0x96: {  	_ = 	snop;
	(pc) =	sbr.rel @p0 .LBB2_2-.Ltmp2, $1  }
0x97: {  	_ =	sdelay $0x3  }
0x98: {  	[hbm4b:s6+s3] =	stream.linear.scatter [tilespmem:s12], [sflag:$0x1], $0x1B0, $0x38;
	[tilespmem:$0xDD0] =	vst v63  }
0x99: {  	_ =	swait.ge [sflag:s11], $0x1B0  }
0x9a: {  	[sflag:s11] =	ssyncset.done $0x0  }
0x9b: {  	[sflag:s11] =	ssyncadd.s32 $0xFFFFFE50  }
0x9c: {  	[hbm4b:s5+s3] =	stream.linear.scatter [tilespmem:s13], [sflag:$0x1], $0x1B0, $0x38;
	[tilespmem:$0xDD0] =	vst v63  }
0x9d: {  	_ =	swait.ge [sflag:s11], $0x1B0  }
0x9e: {  	[sflag:s11] =	ssyncset.done $0x0  }
0x9f: {  	[sflag:s11] =	ssyncadd.s32 $0xFFFFFE50  }
0xa0: {  	[hbm4b:s7+s3] =	stream.linear.scatter [tilespmem:s14], [sflag:$0x1], $0x1B0, $0x38;
	[tilespmem:$0xDD0] =	vst v63  }
0xa1: {  	_ =	swait.ge [sflag:s11], $0x1B0  }
0xa2: {  	[sflag:s11] =	ssyncset.done $0x0  }
0xa3: {  	[sflag:s11] =	ssyncadd.s32 $0xFFFFFE50  }
0xa4: {  	[hbm4b:s8+s3] =	stream.linear.scatter [tilespmem:s15], [sflag:$0x1], $0x1B0, $0x38;
	[tilespmem:$0xDD0] =	vst v63  }
0xa5: {  	s17 =	sadd.s32 $0x1, s17;
	_ =	swait.ge [sflag:s11], $0x1B0  }
0xa6: {  	p0 =	sne.s32 s17, s10;
	[sflag:s11] =	ssyncset.done $0x0  }
.Ltmp3:
0xa7: {  	[sflag:s11] =	ssyncadd.s32 $0xFFFFFE50;
	(pc) =	sbr.rel @p0 .LBB2_1-.Ltmp3, $4  }
0xa8: {  	[hbm4b:s9+s3] =	stream.linear.scatter [tilespmem:s16], [sflag:$0x1], $0x1B0, $0x38;
	[tilespmem:$0xDD0] =	vst v63  }
0xa9: {  	_ =	swait.ge [sflag:s11], $0x1B0  }
0xaa: {  	[sflag:s11] =	ssyncset.done $0x0  }
0xab: {  	[sflag:s11] =	ssyncadd.s32 $0xFFFFFE50  }
0xac: {  	_ =	sfence.sel $0x180000  }
0xad: {  	[bflag:$0x0] =	sbarrier.arrive $0xFFFF  }
0xae: {  	p0 =	sne.s32 s0, $0x0;
	_ =	strace $0x90000047  }
0xaf: {  	s0 =	sadd.s32 @!p0 $0x100000, s2;
	[bflag:$0x2] =	sbarrier.arrive $0xFFFF  }
0xb0: {  	[sflag:s0] =	ssyncadd.tile.s32 @!p0 $0x1;
	_ =	shalt  }
.Lfunc_end2:
_tile_overlayer_lowered:
.L_overlay_start_2:
0xb1: {  	(tag) =	ssettag $0x2  }
0xb2: {  	s0 =	rddreg [dreg:$0x0];
	s2 =	stileid.u32  }
0xb3: {  	s1 =	rddreg [dreg:$0x1];
	p0 =	sne.s32 s2, $0x0  }
0xb4: {  	s3 =	rddreg [dreg:$0x2];
	[bflag:$0x3] =	sbarrier.arrive $0xFFFF;
	s2 =	simm.s32 @!p0 $0x1C01  }
0xb5: {  	[timem:s3], [sflag:s2] =	dma.local @!p0 [hbm:s0], s1  }
0xb6: {  	s0 =	simm.s32 @!p0 $0x1  }
0xb7: {  	_ =	swait.ge @!p0 [sflag:s0], s1  }
0xb8: {  	s1 =	ssub.s32 @!p0 $0x0, s1;
	[sflag:s0] =	ssyncset.done @!p0 $0x0  }
0xb9: {  	[sflag:s0] =	ssyncadd.s32 @!p0 s1  }
0xba: {  	[bflag:$0x3] =	sbarrier.arrive $0xFFFF  }
0xbb: {  	_ =	shalt  }

</sc_bundles>
